<compile_context>
chip_gen: v7x
topology: tpu7x:2x2x1
jax: 0.10.2.dev20260603
libtpu: 0.0.44.dev20260713+nightly
codegen_flags: <defaults>
</compile_context>

<pallas_src>
import functools

import jax
import jax.numpy as jnp
from jax import lax
from jax.experimental import pallas as pl
from jax.experimental.pallas import tpu as pltpu
from jax.experimental.pallas import tpu_sc as plsc

N = 100000
D = 128
G = 1024

NC = 2
NS = 16
NW = NC * NS
CHUNK = 3200
N_PAD = NW * CHUNK
LAST_CHUNK = N - (NW - 1) * CHUNK
A_PER = G // NW

K1_ROWS = 25600
K1_GRID = N_PAD // K1_ROWS


def _matvec_body(h_ref, w_ref, b_ref, l_ref):
    hb = h_ref[...]
    w = w_ref[...]
    s = lax.dot_general(w, hb, (((1,), (1,)), ((), ())),
                        preferred_element_type=jnp.float32)
    s = s + b_ref[0, 0]
    l_ref[...] = s.reshape(K1_ROWS // 128, 128)


_matvec = pl.pallas_call(
    _matvec_body,
    grid=(K1_GRID,),
    in_specs=[
        pl.BlockSpec((K1_ROWS, D), lambda i: (i, 0)),
        pl.BlockSpec((1, D), lambda i: (0, 0)),
        pl.BlockSpec((1, 1), lambda i: (0, 0)),
    ],
    out_specs=pl.BlockSpec((K1_ROWS // 128, 128), lambda i: (i, 0)),
    out_shape=jax.ShapeDtypeStruct((N_PAD // 128, 128), jnp.float32),
)


def _sc_body(l_hbm, bi_hbm, act_hbm,
             s_out, t_out, la_out, bia_out,
             l_v, bi_v, s_acc, t_acc, a_v, la_v, bia_v, sem):
    c = lax.axis_index("c")
    s = lax.axis_index("s")
    wid = s * NC + c
    base = wid * CHUNK

    abase = wid * A_PER
    pltpu.sync_copy(act_hbm.at[pl.ds(abase, A_PER)], a_v)
    ga = pltpu.async_copy(l_hbm.at[a_v], la_v, sem)
    gb = pltpu.async_copy(bi_hbm.at[a_v], bia_v, sem)

    zero = jnp.zeros((16,), jnp.float32)

    def zbody(j, carry):
        s_acc[pl.ds(j * 16, 16)] = zero
        t_acc[pl.ds(j * 16, 16)] = zero
        return carry

    lax.fori_loop(0, G // 16, zbody, 0)

    iota = lax.iota(jnp.int32, 16)
    zeros16 = iota * 0
    fifteens = zeros16 + 15
    lane0 = iota == 0

    def g(x, i):
        return x.at[i].get(mode="promise_in_bounds")

    def run(nv):
        pltpu.sync_copy(l_hbm.at[pl.ds(base, nv)], l_v.at[pl.ds(0, nv)])
        pltpu.sync_copy(bi_hbm.at[pl.ds(base, nv)], bi_v.at[pl.ds(16, nv)])
        bi_v[pl.ds(0, 16)] = zeros16

        def body(i, carry):
            carry_cse, carry_cst = carry
            off = i * 16
            l = l_v[pl.ds(off, 16)]
            idx = bi_v[pl.ds(off + 16, 16)]
            pid = bi_v[pl.ds(off + 15, 16)]
            ex = jnp.exp(l)
            t = ex * l
            cse = plsc.cumsum(ex) + carry_cse
            cst = plsc.cumsum(t) + carry_cst
            pe = cse - ex
            pt = cst - t
            st = pid != idx
            plsc.addupdate_scatter(s_acc, [pid], pe, mask=st)
            plsc.addupdate_scatter(s_acc, [idx], -pe, mask=st)
            plsc.addupdate_scatter(t_acc, [pid], pt, mask=st)
            plsc.addupdate_scatter(t_acc, [idx], -pt, mask=st)
            return (g(cse, fifteens), g(cst, fifteens))

        carry0 = (jnp.zeros((16,), jnp.float32),
                  jnp.zeros((16,), jnp.float32))
        carry_cse, carry_cst = lax.fori_loop(
            0, nv // 16, body, carry0, unroll=2)
        lastidx = g(bi_v[pl.ds(nv, 16)], fifteens)
        plsc.addupdate_scatter(s_acc, [lastidx], carry_cse, mask=lane0)
        plsc.addupdate_scatter(t_acc, [lastidx], carry_cst, mask=lane0)

    @pl.when(wid < NW - 1)
    def _():
        run(CHUNK)

    @pl.when(wid == NW - 1)
    def _():
        run(LAST_CHUNK)

    pltpu.sync_copy(s_acc, s_out.at[wid])
    pltpu.sync_copy(t_acc, t_out.at[wid])

    ga.wait()
    gb.wait()
    pltpu.sync_copy(la_v, la_out.at[pl.ds(abase, A_PER)])
    pltpu.sync_copy(bia_v, bia_out.at[pl.ds(abase, A_PER)])


_sc_segment = functools.partial(
    pl.kernel,
    out_type=(
        jax.ShapeDtypeStruct((NW, G), jnp.float32),
        jax.ShapeDtypeStruct((NW, G), jnp.float32),
        jax.ShapeDtypeStruct((G,), jnp.float32),
        jax.ShapeDtypeStruct((G,), jnp.int32),
    ),
    mesh=plsc.VectorSubcoreMesh(
        core_axis_name="c", subcore_axis_name="s",
        num_cores=NC, num_subcores=NS),
    compiler_params=pltpu.CompilerParams(needs_layout_passes=False),
    scratch_types=[
        pltpu.VMEM((CHUNK,), jnp.float32),
        pltpu.VMEM((CHUNK + 16,), jnp.int32),
        pltpu.VMEM((G,), jnp.float32),
        pltpu.VMEM((G,), jnp.float32),
        pltpu.VMEM((A_PER,), jnp.int32),
        pltpu.VMEM((A_PER,), jnp.float32),
        pltpu.VMEM((A_PER,), jnp.int32),
        pltpu.SemaphoreType.DMA,
    ],
)(_sc_body)


def _fin_body(sp_ref, tp_ref, la_ref, bia_ref, lp_ref, ent_ref):
    S = jnp.sum(sp_ref[...], axis=0)
    T = jnp.sum(tp_ref[...], axis=0)
    pos = S > 0
    Ssafe = jnp.where(pos, S, 1.0)
    ent_g = jnp.where(pos, jnp.log(Ssafe) - T / Ssafe, 0.0)
    ent_ref[...] = (jnp.sum(ent_g) / G).reshape(1, 1)

    bia = bia_ref[...]
    cols = lax.broadcasted_iota(jnp.int32, (G, G), 1)
    oh = (bia[:, None] == cols).astype(jnp.float32)
    Sa = jnp.sum(oh * S[None, :], axis=1)
    lp_ref[...] = jnp.log(jnp.exp(la_ref[...]) / Sa + 1e-12)


_finalize = pl.pallas_call(
    _fin_body,
    out_shape=[
        jax.ShapeDtypeStruct((G,), jnp.float32),
        jax.ShapeDtypeStruct((1, 1), jnp.float32),
    ],
)


def kernel(actions, h, batch_idx, W, b):
    actions = actions.astype(jnp.int32)
    batch_idx = batch_idx.astype(jnp.int32)
    logits2d = _matvec(h, W.reshape(1, D), b.reshape(1, 1).astype(jnp.float32))
    l_flat = logits2d.reshape(N_PAD)
    sp, tp, la, bia = _sc_segment(l_flat, batch_idx, actions)
    lp, ent = _finalize(sp, tp, la, bia)
    return lp, ent[0, 0]

# --- scband reference (transcript-rebuilt; emitter-appended) ---
"""Pipeline reference for scband-single-action-gnnpolicy-12463995093093 (READ-ONLY COPY).

The authoritative reference and input builder live on the scoring server;
editing this copy changes nothing except your own understanding.
"""

import jax, jax.numpy as jnp
import numpy as np

NUM_GRAPHS = 1024
N_NODES = 100000
EMBED_DIM = 128

def setup_inputs(seed: int = 0) -> dict:
    key = jax.random.key(seed)
    k1, k2, k3, k4, k5 = jax.random.split(key, 5)
    actions = jax.random.randint(k1, (1024,), 0, N_NODES, dtype=jnp.int64) if jax.config.jax_enable_x64 else jax.random.randint(k1, (1024,), 0, N_NODES).astype(jnp.int32)
    h = jax.random.normal(k2, (N_NODES, EMBED_DIM), dtype=jnp.float32)
    batch_idx = jnp.sort(jax.random.randint(k3, (N_NODES,), 0, NUM_GRAPHS)).astype(jnp.int32)
    # learned params of nn.Linear(embedding_dim, 1)
    W = (jax.random.normal(k4, (1, EMBED_DIM), dtype=jnp.float32) / np.sqrt(EMBED_DIM)).astype(jnp.float32)
    b = jnp.zeros((1,), dtype=jnp.float32)
    return {"actions": actions, "h": h, "batch_idx": batch_idx, "W": W, "b": b}


def _segment_softmax(logits, batch_idx, num_segments):
    seg_max = jax.ops.segment_max(logits, batch_idx, num_segments=num_segments)
    shifted = logits - seg_max[batch_idx]
    ex = jnp.exp(shifted)
    seg_sum = jax.ops.segment_sum(ex, batch_idx, num_segments=num_segments)
    return ex / seg_sum[batch_idx]


def reference(actions, h, batch_idx, W, b):
    # node_logits = self.node_prob(h).squeeze()
    node_logits = (h @ W.T + b).squeeze(-1)  # [N]
    # node_mask is all-true (every node valid)
    # p = node_probs(node_logits, node_mask, batch_idx): per-graph softmax
    p = _segment_softmax(node_logits, batch_idx, NUM_GRAPHS)
    # n_g = num_graphs(batch_idx)
    # entropy = masked_entropy(p, node_mask, n_g): mean per-graph entropy
    ent_per_graph = jax.ops.segment_sum(-p * jnp.log(p + 1e-12), batch_idx, num_segments=NUM_GRAPHS)
    entropy = jnp.mean(ent_per_graph)
    # logprob = th.log(p[actions])
    logprob = jnp.log(p[actions] + 1e-12)
    return (logprob, entropy)

if __name__ == "__main__":
    import jax
    _d = setup_inputs()
    print(jax.jit(kernel)(*tuple(_d.values())))

</pallas_src>

<mosaic_0001>
#map = affine_map<(d0, d1) -> (0)>
#map1 = affine_map<(d0, d1) -> (0, 0)>
module attributes {stable_mosaic.version = 14 : i64} {
  func.func @_sc_body(%arg0: i32, %arg1: i32, %arg2: memref<102400xf32, #tpu.memory_space<hbm>>, %arg3: memref<100000xi32, #tpu.memory_space<hbm>>, %arg4: memref<1024xi32, #tpu.memory_space<hbm>>, %arg5: memref<32x1024xf32, #tpu.memory_space<hbm>>, %arg6: memref<32x1024xf32, #tpu.memory_space<hbm>>, %arg7: memref<1024xf32, #tpu.memory_space<hbm>>, %arg8: memref<1024xi32, #tpu.memory_space<hbm>>, %arg9: memref<3200xf32, #tpu.memory_space<vmem>>, %arg10: memref<3216xi32, #tpu.memory_space<vmem>>, %arg11: memref<1024xf32, #tpu.memory_space<vmem>>, %arg12: memref<1024xf32, #tpu.memory_space<vmem>>, %arg13: memref<32xi32, #tpu.memory_space<vmem>>, %arg14: memref<32xf32, #tpu.memory_space<vmem>>, %arg15: memref<32xi32, #tpu.memory_space<vmem>>, %arg16: memref<!tpu.dma_semaphore, #tpu.memory_space<semaphore_mem>>) attributes {dimension_semantics = [#tpu.dimension_semantics<core_parallel>, #tpu.dimension_semantics<subcore_parallel>], iteration_bounds = array<i64: 2, 16>, scalar_prefetch = 0 : i64, scratch_operands = 8 : i64, tpu.core_type = #tpu.core_type<sc_vector_subcore>, window_params = [{transform_indices = #map}, {transform_indices = #map}, {transform_indices = #map}, {transform_indices = #map1}, {transform_indices = #map1}, {transform_indices = #map}, {transform_indices = #map}]} {
    %mul3A = arith.constant 2 : i32
    %mul3A_0 = arith.muli %arg1, %mul3A : i32
    %add3A = arith.addi %mul3A_0, %arg0 : i32
    %mul3A_1 = arith.constant 3200 : i32
    %mul3A_2 = arith.muli %add3A, %mul3A_1 : i32
    %mul3A_3 = arith.constant 32 : i32
    %mul3A_4 = arith.muli %add3A, %mul3A_3 : i32
    "tpu.region"() ({
      %run_scoped3A = tpu.sem_alloc : memref<!tpu.dma_semaphore, #tpu.memory_space<semaphore_mem>>
      %dma_start3A_32 = tpu.memref_slice %arg4[%mul3A_4] : memref<1024xi32, #tpu.memory_space<hbm>> -> memref<32xi32, #tpu.memory_space<hbm>>
      %dma_start3A_33 = tpu.memref_slice %arg4[%mul3A_4] : memref<1024xi32, #tpu.memory_space<hbm>> -> memref<32xi32, #tpu.memory_space<hbm>>
      tpu.enqueue_dma source(%dma_start3A_33 : memref<32xi32, #tpu.memory_space<hbm>>) target(%arg13 : memref<32xi32, #tpu.memory_space<vmem>>) target_semaphore(%run_scoped3A : memref<!tpu.dma_semaphore, #tpu.memory_space<semaphore_mem>>)
      %dma_wait3A_34 = tpu.memref_slice %arg4[%mul3A_4] : memref<1024xi32, #tpu.memory_space<hbm>> -> memref<32xi32, #tpu.memory_space<hbm>>
      %dma_wait3A_35 = tpu.memref_slice %arg4[%mul3A_4] : memref<1024xi32, #tpu.memory_space<hbm>> -> memref<32xi32, #tpu.memory_space<hbm>>
      tpu.wait_dma2 semaphore(%run_scoped3A : memref<!tpu.dma_semaphore, #tpu.memory_space<semaphore_mem>>) src(%dma_wait3A_35 : memref<32xi32, #tpu.memory_space<hbm>>) dst(%arg13 : memref<32xi32, #tpu.memory_space<vmem>>)
      tpu.yield
    }) : () -> ()
    %dma_start3A = arith.constant 0 : i32
    %dma_start3A_5 = tpu.memref_slice %arg2[%dma_start3A] : memref<102400xf32, #tpu.memory_space<hbm>> -> memref<102400xf32, #tpu.memory_space<hbm>>
    tpu.enqueue_indirect_dma source(%dma_start3A_5 : memref<102400xf32, #tpu.memory_space<hbm>>) target(%arg14 : memref<32xf32, #tpu.memory_space<vmem>>) offsets(%arg13 : memref<32xi32, #tpu.memory_space<vmem>>) semaphore(%arg16 : memref<!tpu.dma_semaphore, #tpu.memory_space<semaphore_mem>>)
    %dma_start3A_6 = arith.constant 0 : i32
    %dma_start3A_7 = tpu.memref_slice %arg3[%dma_start3A_6] : memref<100000xi32, #tpu.memory_space<hbm>> -> memref<100000xi32, #tpu.memory_space<hbm>>
    tpu.enqueue_indirect_dma source(%dma_start3A_7 : memref<100000xi32, #tpu.memory_space<hbm>>) target(%arg15 : memref<32xi32, #tpu.memory_space<vmem>>) offsets(%arg13 : memref<32xi32, #tpu.memory_space<vmem>>) semaphore(%arg16 : memref<!tpu.dma_semaphore, #tpu.memory_space<semaphore_mem>>)
    %broadcast_in_dim3A = arith.constant 0.000000e+00 : f32
    %broadcast_in_dim3A_8 = vector.broadcast %broadcast_in_dim3A : f32 to vector<16xf32>
    %scan3A = arith.constant 0 : i32
    %scan3A_9 = arith.constant 0 : i32
    %scan3A_10 = arith.constant 64 : i32
    %scan3A_11 = arith.addi %scan3A_9, %scan3A_10 : i32
    %scan3A_12 = arith.constant 1 : i32
    scf.for %scan3A_32 = %scan3A_9 to %scan3A_11 step %scan3A_12  : i32 {
      %mul3A_33 = arith.constant 16 : i32
      %mul3A_34 = arith.muli %scan3A_32, %mul3A_33 : i32
      %swap3A = arith.index_cast %mul3A_34 : i32 to index
      %swap3A_35 = tpu.vector_load %arg11[%swap3A] {strides = array<i32>} : memref<1024xf32, #tpu.memory_space<vmem>>, vector<16xf32>,
      tpu.vector_store %arg11[%swap3A], %broadcast_in_dim3A_8 {strides = array<i32>} : memref<1024xf32, #tpu.memory_space<vmem>>, vector<16xf32>,
      %mul3A_36 = arith.constant 16 : i32
      %mul3A_37 = arith.muli %scan3A_32, %mul3A_36 : i32
      %swap3A_38 = arith.index_cast %mul3A_37 : i32 to index
      %swap3A_39 = tpu.vector_load %arg12[%swap3A_38] {strides = array<i32>} : memref<1024xf32, #tpu.memory_space<vmem>>, vector<16xf32>,
      tpu.vector_store %arg12[%swap3A_38], %broadcast_in_dim3A_8 {strides = array<i32>} : memref<1024xf32, #tpu.memory_space<vmem>>, vector<16xf32>,
    }
    %scan3A_13 = arith.constant 64 : i32
    %iota3A = tpu.iota {dimensions = array<i32: 0>} : vector<16xi32>
    %mul3A_14 = arith.constant 0 : i32
    %mul3A_15 = vector.broadcast %mul3A_14 : i32 to vector<16xi32>
    %mul3A_16 = arith.muli %iota3A, %mul3A_15 : vector<16xi32>
    %add3A_17 = arith.constant 15 : i32
    %add3A_18 = vector.broadcast %add3A_17 : i32 to vector<16xi32>
    %add3A_19 = arith.addi %mul3A_16, %add3A_18 : vector<16xi32>
    %eq3A = arith.constant 0 : i32
    %eq3A_20 = vector.broadcast %eq3A : i32 to vector<16xi32>
    %eq3A_21 = arith.cmpi eq, %iota3A, %eq3A_20 : vector<16xi32>
    %lt3A = arith.constant 31 : i32
    %lt3A_22 = arith.cmpi slt, %add3A, %lt3A : i32
    %convert_element_type3A = arith.extui %lt3A_22 : i1 to i32
    %cond3A = arith.constant 0 : i32
    %cond3A_23 = arith.cmpi ne, %convert_element_type3A, %cond3A : i32
    scf.if %cond3A_23 {
      "tpu.region"() ({
        %run_scoped3A = tpu.sem_alloc : memref<!tpu.dma_semaphore, #tpu.memory_space<semaphore_mem>>
        %dma_start3A_52 = arith.constant 0 : i32
        %dma_start3A_53 = tpu.memref_slice %arg9[%dma_start3A_52] : memref<3200xf32, #tpu.memory_space<vmem>> -> memref<3200xf32, #tpu.memory_space<vmem>>
        %dma_start3A_54 = tpu.memref_slice %arg2[%mul3A_2] : memref<102400xf32, #tpu.memory_space<hbm>> -> memref<3200xf32, #tpu.memory_space<hbm>>
        %dma_start3A_55 = arith.constant 0 : i32
        %dma_start3A_56 = tpu.memref_slice %arg9[%dma_start3A_55] : memref<3200xf32, #tpu.memory_space<vmem>> -> memref<3200xf32, #tpu.memory_space<vmem>>
        %dma_start3A_57 = tpu.memref_slice %arg2[%mul3A_2] : memref<102400xf32, #tpu.memory_space<hbm>> -> memref<3200xf32, #tpu.memory_space<hbm>>
        tpu.enqueue_dma source(%dma_start3A_57 : memref<3200xf32, #tpu.memory_space<hbm>>) target(%dma_start3A_56 : memref<3200xf32, #tpu.memory_space<vmem>>) target_semaphore(%run_scoped3A : memref<!tpu.dma_semaphore, #tpu.memory_space<semaphore_mem>>)
        %dma_wait3A_58 = arith.constant 0 : i32
        %dma_wait3A_59 = tpu.memref_slice %arg9[%dma_wait3A_58] : memref<3200xf32, #tpu.memory_space<vmem>> -> memref<3200xf32, #tpu.memory_space<vmem>>
        %dma_wait3A_60 = tpu.memref_slice %arg2[%mul3A_2] : memref<102400xf32, #tpu.memory_space<hbm>> -> memref<3200xf32, #tpu.memory_space<hbm>>
        %dma_wait3A_61 = arith.constant 0 : i32
        %dma_wait3A_62 = tpu.memref_slice %arg9[%dma_wait3A_61] : memref<3200xf32, #tpu.memory_space<vmem>> -> memref<3200xf32, #tpu.memory_space<vmem>>
        %dma_wait3A_63 = tpu.memref_slice %arg2[%mul3A_2] : memref<102400xf32, #tpu.memory_space<hbm>> -> memref<3200xf32, #tpu.memory_space<hbm>>
        tpu.wait_dma2 semaphore(%run_scoped3A : memref<!tpu.dma_semaphore, #tpu.memory_space<semaphore_mem>>) src(%dma_wait3A_63 : memref<3200xf32, #tpu.memory_space<hbm>>) dst(%dma_wait3A_62 : memref<3200xf32, #tpu.memory_space<vmem>>)
        tpu.yield
      }) : () -> ()
      "tpu.region"() ({
        %run_scoped3A = tpu.sem_alloc : memref<!tpu.dma_semaphore, #tpu.memory_space<semaphore_mem>>
        %dma_start3A_52 = arith.constant 16 : i32
        %dma_start3A_53 = tpu.memref_slice %arg10[%dma_start3A_52] : memref<3216xi32, #tpu.memory_space<vmem>> -> memref<3200xi32, #tpu.memory_space<vmem>>
        %dma_start3A_54 = tpu.memref_slice %arg3[%mul3A_2] : memref<100000xi32, #tpu.memory_space<hbm>> -> memref<3200xi32, #tpu.memory_space<hbm>>
        %dma_start3A_55 = arith.constant 16 : i32
        %dma_start3A_56 = tpu.memref_slice %arg10[%dma_start3A_55] : memref<3216xi32, #tpu.memory_space<vmem>> -> memref<3200xi32, #tpu.memory_space<vmem>>
        %dma_start3A_57 = tpu.memref_slice %arg3[%mul3A_2] : memref<100000xi32, #tpu.memory_space<hbm>> -> memref<3200xi32, #tpu.memory_space<hbm>>
        tpu.enqueue_dma source(%dma_start3A_57 : memref<3200xi32, #tpu.memory_space<hbm>>) target(%dma_start3A_56 : memref<3200xi32, #tpu.memory_space<vmem>>) target_semaphore(%run_scoped3A : memref<!tpu.dma_semaphore, #tpu.memory_space<semaphore_mem>>)
        %dma_wait3A_58 = arith.constant 16 : i32
        %dma_wait3A_59 = tpu.memref_slice %arg10[%dma_wait3A_58] : memref<3216xi32, #tpu.memory_space<vmem>> -> memref<3200xi32, #tpu.memory_space<vmem>>
        %dma_wait3A_60 = tpu.memref_slice %arg3[%mul3A_2] : memref<100000xi32, #tpu.memory_space<hbm>> -> memref<3200xi32, #tpu.memory_space<hbm>>
        %dma_wait3A_61 = arith.constant 16 : i32
        %dma_wait3A_62 = tpu.memref_slice %arg10[%dma_wait3A_61] : memref<3216xi32, #tpu.memory_space<vmem>> -> memref<3200xi32, #tpu.memory_space<vmem>>
        %dma_wait3A_63 = tpu.memref_slice %arg3[%mul3A_2] : memref<100000xi32, #tpu.memory_space<hbm>> -> memref<3200xi32, #tpu.memory_space<hbm>>
        tpu.wait_dma2 semaphore(%run_scoped3A : memref<!tpu.dma_semaphore, #tpu.memory_space<semaphore_mem>>) src(%dma_wait3A_63 : memref<3200xi32, #tpu.memory_space<hbm>>) dst(%dma_wait3A_62 : memref<3200xi32, #tpu.memory_space<vmem>>)
        tpu.yield
      }) : () -> ()
      %swap3A = arith.constant 0 : index
      %swap3A_32 = tpu.vector_load %arg10[%swap3A] {strides = array<i32>} : memref<3216xi32, #tpu.memory_space<vmem>>, vector<16xi32>,
      tpu.vector_store %arg10[%swap3A], %mul3A_16 {strides = array<i32>} : memref<3216xi32, #tpu.memory_space<vmem>>, vector<16xi32>,
      %broadcast_in_dim3A_33 = arith.constant 0.000000e+00 : f32
      %broadcast_in_dim3A_34 = vector.broadcast %broadcast_in_dim3A_33 : f32 to vector<16xf32>
      %broadcast_in_dim3A_35 = arith.constant 0.000000e+00 : f32
      %broadcast_in_dim3A_36 = vector.broadcast %broadcast_in_dim3A_35 : f32 to vector<16xf32>
      %scan3A_37 = arith.constant 0 : i32
      %scan3A_38 = arith.constant 200 : i32
      %scan3A_39 = arith.addi %scan3A_37, %scan3A_38 : i32
      %scan3A_40 = arith.constant 2 : i32
      %scan3A_41:2 = scf.for %scan3A_52 = %scan3A_37 to %scan3A_39 step %scan3A_40 iter_args(%scan3A_53 = %broadcast_in_dim3A_34, %scan3A_54 = %broadcast_in_dim3A_36) -> (vector<16xf32>, vector<16xf32>)  : i32 {
        %mul3A_55 = arith.constant 16 : i32
        %mul3A_56 = arith.muli %scan3A_52, %mul3A_55 : i32
        %get3A_57 = arith.index_cast %mul3A_56 : i32 to index
        %get3A_58 = tpu.vector_load %arg9[%get3A_57] {strides = array<i32>} : memref<3200xf32, #tpu.memory_space<vmem>>, vector<16xf32>,
        %add3A_59 = arith.constant 16 : i32
        %add3A_60 = arith.addi %mul3A_56, %add3A_59 : i32
        %get3A_61 = arith.index_cast %add3A_60 : i32 to index
        %get3A_62 = tpu.vector_load %arg10[%get3A_61] {strides = array<i32>} : memref<3216xi32, #tpu.memory_space<vmem>>, vector<16xi32>,
        %add3A_63 = arith.constant 15 : i32
        %add3A_64 = arith.addi %mul3A_56, %add3A_63 : i32
        %get3A_65 = arith.index_cast %add3A_64 : i32 to index
        %get3A_66 = tpu.vector_load %arg10[%get3A_65] {strides = array<i32>} : memref<3216xi32, #tpu.memory_space<vmem>>, vector<16xi32>,
        %exp3A = math.exp %get3A_58 : vector<16xf32>
        %mul3A_67 = arith.mulf %exp3A, %get3A_58 : vector<16xf32>
        %broadcast_in_dim3A_68 = arith.constant true
        %broadcast_in_dim3A_69 = vector.broadcast %broadcast_in_dim3A_68 : i1 to vector<16xi1>
        %masked_cumsum3A = tpu.scan <sum>, %exp3A masked %broadcast_in_dim3A_69 : vector<16xf32>, vector<16xi1> -> vector<16xf32>
        %add3A_70 = arith.addf %masked_cumsum3A, %scan3A_53 : vector<16xf32>
        %broadcast_in_dim3A_71 = arith.constant true
        %broadcast_in_dim3A_72 = vector.broadcast %broadcast_in_dim3A_71 : i1 to vector<16xi1>
        %masked_cumsum3A_73 = tpu.scan <sum>, %mul3A_67 masked %broadcast_in_dim3A_72 : vector<16xf32>, vector<16xi1> -> vector<16xf32>
        %add3A_74 = arith.addf %masked_cumsum3A_73, %scan3A_54 : vector<16xf32>
        %sub3A = arith.subf %add3A_70, %exp3A : vector<16xf32>
        %sub3A_75 = arith.subf %add3A_74, %mul3A_67 : vector<16xf32>
        %ne3A = arith.cmpi ne, %get3A_66, %get3A_62 : vector<16xi32>
        tpu.vector_store_idx %arg11[%get3A_66], %sub3A masked %ne3A {add = true} : memref<1024xf32, #tpu.memory_space<vmem>>[vector<16xi32>], vector<16xf32>, vector<16xi1>
        %neg3A = arith.constant 0.000000e+00 : f32
        %neg3A_76 = vector.broadcast %neg3A : f32 to vector<16xf32>
        %neg3A_77 = arith.subf %neg3A_76, %sub3A : vector<16xf32>
        tpu.vector_store_idx %arg11[%get3A_62], %neg3A_77 masked %ne3A {add = true} : memref<1024xf32, #tpu.memory_space<vmem>>[vector<16xi32>], vector<16xf32>, vector<16xi1>
        tpu.vector_store_idx %arg12[%get3A_66], %sub3A_75 masked %ne3A {add = true} : memref<1024xf32, #tpu.memory_space<vmem>>[vector<16xi32>], vector<16xf32>, vector<16xi1>
        %neg3A_78 = arith.constant 0.000000e+00 : f32
        %neg3A_79 = vector.broadcast %neg3A_78 : f32 to vector<16xf32>
        %neg3A_80 = arith.subf %neg3A_79, %sub3A_75 : vector<16xf32>
        tpu.vector_store_idx %arg12[%get3A_62], %neg3A_80 masked %ne3A {add = true} : memref<1024xf32, #tpu.memory_space<vmem>>[vector<16xi32>], vector<16xf32>, vector<16xi1>
        %lt3A_81 = arith.constant 0 : i32
        %lt3A_82 = vector.broadcast %lt3A_81 : i32 to vector<16xi32>
        %lt3A_83 = arith.cmpi slt, %add3A_19, %lt3A_82 : vector<16xi32>
        %add3A_84 = arith.constant 16 : i32
        %add3A_85 = vector.broadcast %add3A_84 : i32 to vector<16xi32>
        %add3A_86 = arith.addi %add3A_19, %add3A_85 : vector<16xi32>
        %select_n3A_87 = arith.select %lt3A_83, %add3A_86, %add3A_19 : vector<16xi1>, vector<16xi32>
        %broadcast_in_dim3A_88 = vector.shape_cast %select_n3A_87 : vector<16xi32> to vector<16x1xi32>
        %gather3A_89 = vector.shape_cast %broadcast_in_dim3A_88 : vector<16x1xi32> to vector<16xi32>
        %gather3A_90 = tpu.dynamic_gather %add3A_70[%gather3A_89] in [0] : vector<16xf32>, vector<16xi32> -> vector<16xf32>
        %lt3A_91 = arith.constant 0 : i32
        %lt3A_92 = vector.broadcast %lt3A_91 : i32 to vector<16xi32>
        %lt3A_93 = arith.cmpi slt, %add3A_19, %lt3A_92 : vector<16xi32>
        %add3A_94 = arith.constant 16 : i32
        %add3A_95 = vector.broadcast %add3A_94 : i32 to vector<16xi32>
        %add3A_96 = arith.addi %add3A_19, %add3A_95 : vector<16xi32>
        %select_n3A_97 = arith.select %lt3A_93, %add3A_96, %add3A_19 : vector<16xi1>, vector<16xi32>
        %broadcast_in_dim3A_98 = vector.shape_cast %select_n3A_97 : vector<16xi32> to vector<16x1xi32>
        %gather3A_99 = vector.shape_cast %broadcast_in_dim3A_98 : vector<16x1xi32> to vector<16xi32>
        %gather3A_100 = tpu.dynamic_gather %add3A_74[%gather3A_99] in [0] : vector<16xf32>, vector<16xi32> -> vector<16xf32>
        %scan3A_101 = arith.constant 1 : i32
        %scan3A_102 = arith.addi %scan3A_52, %scan3A_101 : i32
        %mul3A_103 = arith.constant 16 : i32
        %mul3A_104 = arith.muli %scan3A_102, %mul3A_103 : i32
        %get3A_105 = arith.index_cast %mul3A_104 : i32 to index
        %get3A_106 = tpu.vector_load %arg9[%get3A_105] {strides = array<i32>} : memref<3200xf32, #tpu.memory_space<vmem>>, vector<16xf32>,
        %add3A_107 = arith.constant 16 : i32
        %add3A_108 = arith.addi %mul3A_104, %add3A_107 : i32
        %get3A_109 = arith.index_cast %add3A_108 : i32 to index
        %get3A_110 = tpu.vector_load %arg10[%get3A_109] {strides = array<i32>} : memref<3216xi32, #tpu.memory_space<vmem>>, vector<16xi32>,
        %add3A_111 = arith.constant 15 : i32
        %add3A_112 = arith.addi %mul3A_104, %add3A_111 : i32
        %get3A_113 = arith.index_cast %add3A_112 : i32 to index
        %get3A_114 = tpu.vector_load %arg10[%get3A_113] {strides = array<i32>} : memref<3216xi32, #tpu.memory_space<vmem>>, vector<16xi32>,
        %exp3A_115 = math.exp %get3A_106 : vector<16xf32>
        %mul3A_116 = arith.mulf %exp3A_115, %get3A_106 : vector<16xf32>
        %broadcast_in_dim3A_117 = arith.constant true
        %broadcast_in_dim3A_118 = vector.broadcast %broadcast_in_dim3A_117 : i1 to vector<16xi1>
        %masked_cumsum3A_119 = tpu.scan <sum>, %exp3A_115 masked %broadcast_in_dim3A_118 : vector<16xf32>, vector<16xi1> -> vector<16xf32>
        %add3A_120 = arith.addf %masked_cumsum3A_119, %gather3A_90 : vector<16xf32>
        %broadcast_in_dim3A_121 = arith.constant true
        %broadcast_in_dim3A_122 = vector.broadcast %broadcast_in_dim3A_121 : i1 to vector<16xi1>
        %masked_cumsum3A_123 = tpu.scan <sum>, %mul3A_116 masked %broadcast_in_dim3A_122 : vector<16xf32>, vector<16xi1> -> vector<16xf32>
        %add3A_124 = arith.addf %masked_cumsum3A_123, %gather3A_100 : vector<16xf32>
        %sub3A_125 = arith.subf %add3A_120, %exp3A_115 : vector<16xf32>
        %sub3A_126 = arith.subf %add3A_124, %mul3A_116 : vector<16xf32>
        %ne3A_127 = arith.cmpi ne, %get3A_114, %get3A_110 : vector<16xi32>
        tpu.vector_store_idx %arg11[%get3A_114], %sub3A_125 masked %ne3A_127 {add = true} : memref<1024xf32, #tpu.memory_space<vmem>>[vector<16xi32>], vector<16xf32>, vector<16xi1>
        %neg3A_128 = arith.constant 0.000000e+00 : f32
        %neg3A_129 = vector.broadcast %neg3A_128 : f32 to vector<16xf32>
        %neg3A_130 = arith.subf %neg3A_129, %sub3A_125 : vector<16xf32>
        tpu.vector_store_idx %arg11[%get3A_110], %neg3A_130 masked %ne3A_127 {add = true} : memref<1024xf32, #tpu.memory_space<vmem>>[vector<16xi32>], vector<16xf32>, vector<16xi1>
        tpu.vector_store_idx %arg12[%get3A_114], %sub3A_126 masked %ne3A_127 {add = true} : memref<1024xf32, #tpu.memory_space<vmem>>[vector<16xi32>], vector<16xf32>, vector<16xi1>
        %neg3A_131 = arith.constant 0.000000e+00 : f32
        %neg3A_132 = vector.broadcast %neg3A_131 : f32 to vector<16xf32>
        %neg3A_133 = arith.subf %neg3A_132, %sub3A_126 : vector<16xf32>
        tpu.vector_store_idx %arg12[%get3A_110], %neg3A_133 masked %ne3A_127 {add = true} : memref<1024xf32, #tpu.memory_space<vmem>>[vector<16xi32>], vector<16xf32>, vector<16xi1>
        %lt3A_134 = arith.constant 0 : i32
        %lt3A_135 = vector.broadcast %lt3A_134 : i32 to vector<16xi32>
        %lt3A_136 = arith.cmpi slt, %add3A_19, %lt3A_135 : vector<16xi32>
        %add3A_137 = arith.constant 16 : i32
        %add3A_138 = vector.broadcast %add3A_137 : i32 to vector<16xi32>
        %add3A_139 = arith.addi %add3A_19, %add3A_138 : vector<16xi32>
        %select_n3A_140 = arith.select %lt3A_136, %add3A_139, %add3A_19 : vector<16xi1>, vector<16xi32>
        %broadcast_in_dim3A_141 = vector.shape_cast %select_n3A_140 : vector<16xi32> to vector<16x1xi32>
        %gather3A_142 = vector.shape_cast %broadcast_in_dim3A_141 : vector<16x1xi32> to vector<16xi32>
        %gather3A_143 = tpu.dynamic_gather %add3A_120[%gather3A_142] in [0] : vector<16xf32>, vector<16xi32> -> vector<16xf32>
        %lt3A_144 = arith.constant 0 : i32
        %lt3A_145 = vector.broadcast %lt3A_144 : i32 to vector<16xi32>
        %lt3A_146 = arith.cmpi slt, %add3A_19, %lt3A_145 : vector<16xi32>
        %add3A_147 = arith.constant 16 : i32
        %add3A_148 = vector.broadcast %add3A_147 : i32 to vector<16xi32>
        %add3A_149 = arith.addi %add3A_19, %add3A_148 : vector<16xi32>
        %select_n3A_150 = arith.select %lt3A_146, %add3A_149, %add3A_19 : vector<16xi1>, vector<16xi32>
        %broadcast_in_dim3A_151 = vector.shape_cast %select_n3A_150 : vector<16xi32> to vector<16x1xi32>
        %gather3A_152 = vector.shape_cast %broadcast_in_dim3A_151 : vector<16x1xi32> to vector<16xi32>
        %gather3A_153 = tpu.dynamic_gather %add3A_124[%gather3A_152] in [0] : vector<16xf32>, vector<16xi32> -> vector<16xf32>
        scf.yield %gather3A_143, %gather3A_153 : vector<16xf32>, vector<16xf32>
      }
      %scan3A_42 = arith.constant 200 : i32
      %get3A = arith.constant 3200 : index
      %get3A_43 = tpu.vector_load %arg10[%get3A] {strides = array<i32>} : memref<3216xi32, #tpu.memory_space<vmem>>, vector<16xi32>,
      %lt3A_44 = arith.constant 0 : i32
      %lt3A_45 = vector.broadcast %lt3A_44 : i32 to vector<16xi32>
      %lt3A_46 = arith.cmpi slt, %add3A_19, %lt3A_45 : vector<16xi32>
      %add3A_47 = arith.constant 16 : i32
      %add3A_48 = vector.broadcast %add3A_47 : i32 to vector<16xi32>
      %add3A_49 = arith.addi %add3A_19, %add3A_48 : vector<16xi32>
      %select_n3A = arith.select %lt3A_46, %add3A_49, %add3A_19 : vector<16xi1>, vector<16xi32>
      %broadcast_in_dim3A_50 = vector.shape_cast %select_n3A : vector<16xi32> to vector<16x1xi32>
      %gather3A = vector.shape_cast %broadcast_in_dim3A_50 : vector<16x1xi32> to vector<16xi32>
      %gather3A_51 = tpu.dynamic_gather %get3A_43[%gather3A] in [0] : vector<16xi32>, vector<16xi32> -> vector<16xi32>
      tpu.vector_store_idx %arg11[%gather3A_51], %scan3A_41#0 masked %eq3A_21 {add = true} : memref<1024xf32, #tpu.memory_space<vmem>>[vector<16xi32>], vector<16xf32>, vector<16xi1>
      tpu.vector_store_idx %arg12[%gather3A_51], %scan3A_41#1 masked %eq3A_21 {add = true} : memref<1024xf32, #tpu.memory_space<vmem>>[vector<16xi32>], vector<16xf32>, vector<16xi1>
    } else {
    }
    %eq3A_24 = arith.constant 31 : i32
    %eq3A_25 = arith.cmpi eq, %add3A, %eq3A_24 : i32
    %convert_element_type3A_26 = arith.extui %eq3A_25 : i1 to i32
    %cond3A_27 = arith.constant 0 : i32
    %cond3A_28 = arith.cmpi ne, %convert_element_type3A_26, %cond3A_27 : i32
    scf.if %cond3A_28 {
      "tpu.region"() ({
        %run_scoped3A = tpu.sem_alloc : memref<!tpu.dma_semaphore, #tpu.memory_space<semaphore_mem>>
        %dma_start3A_52 = arith.constant 0 : i32
        %dma_start3A_53 = tpu.memref_slice %arg9[%dma_start3A_52] : memref<3200xf32, #tpu.memory_space<vmem>> -> memref<800xf32, #tpu.memory_space<vmem>>
        %dma_start3A_54 = tpu.memref_slice %arg2[%mul3A_2] : memref<102400xf32, #tpu.memory_space<hbm>> -> memref<800xf32, #tpu.memory_space<hbm>>
        %dma_start3A_55 = arith.constant 0 : i32
        %dma_start3A_56 = tpu.memref_slice %arg9[%dma_start3A_55] : memref<3200xf32, #tpu.memory_space<vmem>> -> memref<800xf32, #tpu.memory_space<vmem>>
        %dma_start3A_57 = tpu.memref_slice %arg2[%mul3A_2] : memref<102400xf32, #tpu.memory_space<hbm>> -> memref<800xf32, #tpu.memory_space<hbm>>
        tpu.enqueue_dma source(%dma_start3A_57 : memref<800xf32, #tpu.memory_space<hbm>>) target(%dma_start3A_56 : memref<800xf32, #tpu.memory_space<vmem>>) target_semaphore(%run_scoped3A : memref<!tpu.dma_semaphore, #tpu.memory_space<semaphore_mem>>)
        %dma_wait3A_58 = arith.constant 0 : i32
        %dma_wait3A_59 = tpu.memref_slice %arg9[%dma_wait3A_58] : memref<3200xf32, #tpu.memory_space<vmem>> -> memref<800xf32, #tpu.memory_space<vmem>>
        %dma_wait3A_60 = tpu.memref_slice %arg2[%mul3A_2] : memref<102400xf32, #tpu.memory_space<hbm>> -> memref<800xf32, #tpu.memory_space<hbm>>
        %dma_wait3A_61 = arith.constant 0 : i32
        %dma_wait3A_62 = tpu.memref_slice %arg9[%dma_wait3A_61] : memref<3200xf32, #tpu.memory_space<vmem>> -> memref<800xf32, #tpu.memory_space<vmem>>
        %dma_wait3A_63 = tpu.memref_slice %arg2[%mul3A_2] : memref<102400xf32, #tpu.memory_space<hbm>> -> memref<800xf32, #tpu.memory_space<hbm>>
        tpu.wait_dma2 semaphore(%run_scoped3A : memref<!tpu.dma_semaphore, #tpu.memory_space<semaphore_mem>>) src(%dma_wait3A_63 : memref<800xf32, #tpu.memory_space<hbm>>) dst(%dma_wait3A_62 : memref<800xf32, #tpu.memory_space<vmem>>)
        tpu.yield
      }) : () -> ()
      "tpu.region"() ({
        %run_scoped3A = tpu.sem_alloc : memref<!tpu.dma_semaphore, #tpu.memory_space<semaphore_mem>>
        %dma_start3A_52 = arith.constant 16 : i32
        %dma_start3A_53 = tpu.memref_slice %arg10[%dma_start3A_52] : memref<3216xi32, #tpu.memory_space<vmem>> -> memref<800xi32, #tpu.memory_space<vmem>>
        %dma_start3A_54 = tpu.memref_slice %arg3[%mul3A_2] : memref<100000xi32, #tpu.memory_space<hbm>> -> memref<800xi32, #tpu.memory_space<hbm>>
        %dma_start3A_55 = arith.constant 16 : i32
        %dma_start3A_56 = tpu.memref_slice %arg10[%dma_start3A_55] : memref<3216xi32, #tpu.memory_space<vmem>> -> memref<800xi32, #tpu.memory_space<vmem>>
        %dma_start3A_57 = tpu.memref_slice %arg3[%mul3A_2] : memref<100000xi32, #tpu.memory_space<hbm>> -> memref<800xi32, #tpu.memory_space<hbm>>
        tpu.enqueue_dma source(%dma_start3A_57 : memref<800xi32, #tpu.memory_space<hbm>>) target(%dma_start3A_56 : memref<800xi32, #tpu.memory_space<vmem>>) target_semaphore(%run_scoped3A : memref<!tpu.dma_semaphore, #tpu.memory_space<semaphore_mem>>)
        %dma_wait3A_58 = arith.constant 16 : i32
        %dma_wait3A_59 = tpu.memref_slice %arg10[%dma_wait3A_58] : memref<3216xi32, #tpu.memory_space<vmem>> -> memref<800xi32, #tpu.memory_space<vmem>>
        %dma_wait3A_60 = tpu.memref_slice %arg3[%mul3A_2] : memref<100000xi32, #tpu.memory_space<hbm>> -> memref<800xi32, #tpu.memory_space<hbm>>
        %dma_wait3A_61 = arith.constant 16 : i32
        %dma_wait3A_62 = tpu.memref_slice %arg10[%dma_wait3A_61] : memref<3216xi32, #tpu.memory_space<vmem>> -> memref<800xi32, #tpu.memory_space<vmem>>
        %dma_wait3A_63 = tpu.memref_slice %arg3[%mul3A_2] : memref<100000xi32, #tpu.memory_space<hbm>> -> memref<800xi32, #tpu.memory_space<hbm>>
        tpu.wait_dma2 semaphore(%run_scoped3A : memref<!tpu.dma_semaphore, #tpu.memory_space<semaphore_mem>>) src(%dma_wait3A_63 : memref<800xi32, #tpu.memory_space<hbm>>) dst(%dma_wait3A_62 : memref<800xi32, #tpu.memory_space<vmem>>)
        tpu.yield
      }) : () -> ()
      %swap3A = arith.constant 0 : index
      %swap3A_32 = tpu.vector_load %arg10[%swap3A] {strides = array<i32>} : memref<3216xi32, #tpu.memory_space<vmem>>, vector<16xi32>,
      tpu.vector_store %arg10[%swap3A], %mul3A_16 {strides = array<i32>} : memref<3216xi32, #tpu.memory_space<vmem>>, vector<16xi32>,
      %broadcast_in_dim3A_33 = arith.constant 0.000000e+00 : f32
      %broadcast_in_dim3A_34 = vector.broadcast %broadcast_in_dim3A_33 : f32 to vector<16xf32>
      %broadcast_in_dim3A_35 = arith.constant 0.000000e+00 : f32
      %broadcast_in_dim3A_36 = vector.broadcast %broadcast_in_dim3A_35 : f32 to vector<16xf32>
      %scan3A_37 = arith.constant 0 : i32
      %scan3A_38 = arith.constant 50 : i32
      %scan3A_39 = arith.addi %scan3A_37, %scan3A_38 : i32
      %scan3A_40 = arith.constant 2 : i32
      %scan3A_41:2 = scf.for %scan3A_52 = %scan3A_37 to %scan3A_39 step %scan3A_40 iter_args(%scan3A_53 = %broadcast_in_dim3A_34, %scan3A_54 = %broadcast_in_dim3A_36) -> (vector<16xf32>, vector<16xf32>)  : i32 {
        %mul3A_55 = arith.constant 16 : i32
        %mul3A_56 = arith.muli %scan3A_52, %mul3A_55 : i32
        %get3A_57 = arith.index_cast %mul3A_56 : i32 to index
        %get3A_58 = tpu.vector_load %arg9[%get3A_57] {strides = array<i32>} : memref<3200xf32, #tpu.memory_space<vmem>>, vector<16xf32>,
        %add3A_59 = arith.constant 16 : i32
        %add3A_60 = arith.addi %mul3A_56, %add3A_59 : i32
        %get3A_61 = arith.index_cast %add3A_60 : i32 to index
        %get3A_62 = tpu.vector_load %arg10[%get3A_61] {strides = array<i32>} : memref<3216xi32, #tpu.memory_space<vmem>>, vector<16xi32>,
        %add3A_63 = arith.constant 15 : i32
        %add3A_64 = arith.addi %mul3A_56, %add3A_63 : i32
        %get3A_65 = arith.index_cast %add3A_64 : i32 to index
        %get3A_66 = tpu.vector_load %arg10[%get3A_65] {strides = array<i32>} : memref<3216xi32, #tpu.memory_space<vmem>>, vector<16xi32>,
        %exp3A = math.exp %get3A_58 : vector<16xf32>
        %mul3A_67 = arith.mulf %exp3A, %get3A_58 : vector<16xf32>
        %broadcast_in_dim3A_68 = arith.constant true
        %broadcast_in_dim3A_69 = vector.broadcast %broadcast_in_dim3A_68 : i1 to vector<16xi1>
        %masked_cumsum3A = tpu.scan <sum>, %exp3A masked %broadcast_in_dim3A_69 : vector<16xf32>, vector<16xi1> -> vector<16xf32>
        %add3A_70 = arith.addf %masked_cumsum3A, %scan3A_53 : vector<16xf32>
        %broadcast_in_dim3A_71 = arith.constant true
        %broadcast_in_dim3A_72 = vector.broadcast %broadcast_in_dim3A_71 : i1 to vector<16xi1>
        %masked_cumsum3A_73 = tpu.scan <sum>, %mul3A_67 masked %broadcast_in_dim3A_72 : vector<16xf32>, vector<16xi1> -> vector<16xf32>
        %add3A_74 = arith.addf %masked_cumsum3A_73, %scan3A_54 : vector<16xf32>
        %sub3A = arith.subf %add3A_70, %exp3A : vector<16xf32>
        %sub3A_75 = arith.subf %add3A_74, %mul3A_67 : vector<16xf32>
        %ne3A = arith.cmpi ne, %get3A_66, %get3A_62 : vector<16xi32>
        tpu.vector_store_idx %arg11[%get3A_66], %sub3A masked %ne3A {add = true} : memref<1024xf32, #tpu.memory_space<vmem>>[vector<16xi32>], vector<16xf32>, vector<16xi1>
        %neg3A = arith.constant 0.000000e+00 : f32
        %neg3A_76 = vector.broadcast %neg3A : f32 to vector<16xf32>
        %neg3A_77 = arith.subf %neg3A_76, %sub3A : vector<16xf32>
        tpu.vector_store_idx %arg11[%get3A_62], %neg3A_77 masked %ne3A {add = true} : memref<1024xf32, #tpu.memory_space<vmem>>[vector<16xi32>], vector<16xf32>, vector<16xi1>
        tpu.vector_store_idx %arg12[%get3A_66], %sub3A_75 masked %ne3A {add = true} : memref<1024xf32, #tpu.memory_space<vmem>>[vector<16xi32>], vector<16xf32>, vector<16xi1>
        %neg3A_78 = arith.constant 0.000000e+00 : f32
        %neg3A_79 = vector.broadcast %neg3A_78 : f32 to vector<16xf32>
        %neg3A_80 = arith.subf %neg3A_79, %sub3A_75 : vector<16xf32>
        tpu.vector_store_idx %arg12[%get3A_62], %neg3A_80 masked %ne3A {add = true} : memref<1024xf32, #tpu.memory_space<vmem>>[vector<16xi32>], vector<16xf32>, vector<16xi1>
        %lt3A_81 = arith.constant 0 : i32
        %lt3A_82 = vector.broadcast %lt3A_81 : i32 to vector<16xi32>
        %lt3A_83 = arith.cmpi slt, %add3A_19, %lt3A_82 : vector<16xi32>
        %add3A_84 = arith.constant 16 : i32
        %add3A_85 = vector.broadcast %add3A_84 : i32 to vector<16xi32>
        %add3A_86 = arith.addi %add3A_19, %add3A_85 : vector<16xi32>
        %select_n3A_87 = arith.select %lt3A_83, %add3A_86, %add3A_19 : vector<16xi1>, vector<16xi32>
        %broadcast_in_dim3A_88 = vector.shape_cast %select_n3A_87 : vector<16xi32> to vector<16x1xi32>
        %gather3A_89 = vector.shape_cast %broadcast_in_dim3A_88 : vector<16x1xi32> to vector<16xi32>
        %gather3A_90 = tpu.dynamic_gather %add3A_70[%gather3A_89] in [0] : vector<16xf32>, vector<16xi32> -> vector<16xf32>
        %lt3A_91 = arith.constant 0 : i32
        %lt3A_92 = vector.broadcast %lt3A_91 : i32 to vector<16xi32>
        %lt3A_93 = arith.cmpi slt, %add3A_19, %lt3A_92 : vector<16xi32>
        %add3A_94 = arith.constant 16 : i32
        %add3A_95 = vector.broadcast %add3A_94 : i32 to vector<16xi32>
        %add3A_96 = arith.addi %add3A_19, %add3A_95 : vector<16xi32>
        %select_n3A_97 = arith.select %lt3A_93, %add3A_96, %add3A_19 : vector<16xi1>, vector<16xi32>
        %broadcast_in_dim3A_98 = vector.shape_cast %select_n3A_97 : vector<16xi32> to vector<16x1xi32>
        %gather3A_99 = vector.shape_cast %broadcast_in_dim3A_98 : vector<16x1xi32> to vector<16xi32>
        %gather3A_100 = tpu.dynamic_gather %add3A_74[%gather3A_99] in [0] : vector<16xf32>, vector<16xi32> -> vector<16xf32>
        %scan3A_101 = arith.constant 1 : i32
        %scan3A_102 = arith.addi %scan3A_52, %scan3A_101 : i32
        %mul3A_103 = arith.constant 16 : i32
        %mul3A_104 = arith.muli %scan3A_102, %mul3A_103 : i32
        %get3A_105 = arith.index_cast %mul3A_104 : i32 to index
        %get3A_106 = tpu.vector_load %arg9[%get3A_105] {strides = array<i32>} : memref<3200xf32, #tpu.memory_space<vmem>>, vector<16xf32>,
        %add3A_107 = arith.constant 16 : i32
        %add3A_108 = arith.addi %mul3A_104, %add3A_107 : i32
        %get3A_109 = arith.index_cast %add3A_108 : i32 to index
        %get3A_110 = tpu.vector_load %arg10[%get3A_109] {strides = array<i32>} : memref<3216xi32, #tpu.memory_space<vmem>>, vector<16xi32>,
        %add3A_111 = arith.constant 15 : i32
        %add3A_112 = arith.addi %mul3A_104, %add3A_111 : i32
        %get3A_113 = arith.index_cast %add3A_112 : i32 to index
        %get3A_114 = tpu.vector_load %arg10[%get3A_113] {strides = array<i32>} : memref<3216xi32, #tpu.memory_space<vmem>>, vector<16xi32>,
        %exp3A_115 = math.exp %get3A_106 : vector<16xf32>
        %mul3A_116 = arith.mulf %exp3A_115, %get3A_106 : vector<16xf32>
        %broadcast_in_dim3A_117 = arith.constant true
        %broadcast_in_dim3A_118 = vector.broadcast %broadcast_in_dim3A_117 : i1 to vector<16xi1>
        %masked_cumsum3A_119 = tpu.scan <sum>, %exp3A_115 masked %broadcast_in_dim3A_118 : vector<16xf32>, vector<16xi1> -> vector<16xf32>
        %add3A_120 = arith.addf %masked_cumsum3A_119, %gather3A_90 : vector<16xf32>
        %broadcast_in_dim3A_121 = arith.constant true
        %broadcast_in_dim3A_122 = vector.broadcast %broadcast_in_dim3A_121 : i1 to vector<16xi1>
        %masked_cumsum3A_123 = tpu.scan <sum>, %mul3A_116 masked %broadcast_in_dim3A_122 : vector<16xf32>, vector<16xi1> -> vector<16xf32>
        %add3A_124 = arith.addf %masked_cumsum3A_123, %gather3A_100 : vector<16xf32>
        %sub3A_125 = arith.subf %add3A_120, %exp3A_115 : vector<16xf32>
        %sub3A_126 = arith.subf %add3A_124, %mul3A_116 : vector<16xf32>
        %ne3A_127 = arith.cmpi ne, %get3A_114, %get3A_110 : vector<16xi32>
        tpu.vector_store_idx %arg11[%get3A_114], %sub3A_125 masked %ne3A_127 {add = true} : memref<1024xf32, #tpu.memory_space<vmem>>[vector<16xi32>], vector<16xf32>, vector<16xi1>
        %neg3A_128 = arith.constant 0.000000e+00 : f32
        %neg3A_129 = vector.broadcast %neg3A_128 : f32 to vector<16xf32>
        %neg3A_130 = arith.subf %neg3A_129, %sub3A_125 : vector<16xf32>
        tpu.vector_store_idx %arg11[%get3A_110], %neg3A_130 masked %ne3A_127 {add = true} : memref<1024xf32, #tpu.memory_space<vmem>>[vector<16xi32>], vector<16xf32>, vector<16xi1>
        tpu.vector_store_idx %arg12[%get3A_114], %sub3A_126 masked %ne3A_127 {add = true} : memref<1024xf32, #tpu.memory_space<vmem>>[vector<16xi32>], vector<16xf32>, vector<16xi1>
        %neg3A_131 = arith.constant 0.000000e+00 : f32
        %neg3A_132 = vector.broadcast %neg3A_131 : f32 to vector<16xf32>
        %neg3A_133 = arith.subf %neg3A_132, %sub3A_126 : vector<16xf32>
        tpu.vector_store_idx %arg12[%get3A_110], %neg3A_133 masked %ne3A_127 {add = true} : memref<1024xf32, #tpu.memory_space<vmem>>[vector<16xi32>], vector<16xf32>, vector<16xi1>
        %lt3A_134 = arith.constant 0 : i32
        %lt3A_135 = vector.broadcast %lt3A_134 : i32 to vector<16xi32>
        %lt3A_136 = arith.cmpi slt, %add3A_19, %lt3A_135 : vector<16xi32>
        %add3A_137 = arith.constant 16 : i32
        %add3A_138 = vector.broadcast %add3A_137 : i32 to vector<16xi32>
        %add3A_139 = arith.addi %add3A_19, %add3A_138 : vector<16xi32>
        %select_n3A_140 = arith.select %lt3A_136, %add3A_139, %add3A_19 : vector<16xi1>, vector<16xi32>
        %broadcast_in_dim3A_141 = vector.shape_cast %select_n3A_140 : vector<16xi32> to vector<16x1xi32>
        %gather3A_142 = vector.shape_cast %broadcast_in_dim3A_141 : vector<16x1xi32> to vector<16xi32>
        %gather3A_143 = tpu.dynamic_gather %add3A_120[%gather3A_142] in [0] : vector<16xf32>, vector<16xi32> -> vector<16xf32>
        %lt3A_144 = arith.constant 0 : i32
        %lt3A_145 = vector.broadcast %lt3A_144 : i32 to vector<16xi32>
        %lt3A_146 = arith.cmpi slt, %add3A_19, %lt3A_145 : vector<16xi32>
        %add3A_147 = arith.constant 16 : i32
        %add3A_148 = vector.broadcast %add3A_147 : i32 to vector<16xi32>
        %add3A_149 = arith.addi %add3A_19, %add3A_148 : vector<16xi32>
        %select_n3A_150 = arith.select %lt3A_146, %add3A_149, %add3A_19 : vector<16xi1>, vector<16xi32>
        %broadcast_in_dim3A_151 = vector.shape_cast %select_n3A_150 : vector<16xi32> to vector<16x1xi32>
        %gather3A_152 = vector.shape_cast %broadcast_in_dim3A_151 : vector<16x1xi32> to vector<16xi32>
        %gather3A_153 = tpu.dynamic_gather %add3A_124[%gather3A_152] in [0] : vector<16xf32>, vector<16xi32> -> vector<16xf32>
        scf.yield %gather3A_143, %gather3A_153 : vector<16xf32>, vector<16xf32>
      }
      %scan3A_42 = arith.constant 50 : i32
      %get3A = arith.constant 800 : index
      %get3A_43 = tpu.vector_load %arg10[%get3A] {strides = array<i32>} : memref<3216xi32, #tpu.memory_space<vmem>>, vector<16xi32>,
      %lt3A_44 = arith.constant 0 : i32
      %lt3A_45 = vector.broadcast %lt3A_44 : i32 to vector<16xi32>
      %lt3A_46 = arith.cmpi slt, %add3A_19, %lt3A_45 : vector<16xi32>
      %add3A_47 = arith.constant 16 : i32
      %add3A_48 = vector.broadcast %add3A_47 : i32 to vector<16xi32>
      %add3A_49 = arith.addi %add3A_19, %add3A_48 : vector<16xi32>
      %select_n3A = arith.select %lt3A_46, %add3A_49, %add3A_19 : vector<16xi1>, vector<16xi32>
      %broadcast_in_dim3A_50 = vector.shape_cast %select_n3A : vector<16xi32> to vector<16x1xi32>
      %gather3A = vector.shape_cast %broadcast_in_dim3A_50 : vector<16x1xi32> to vector<16xi32>
      %gather3A_51 = tpu.dynamic_gather %get3A_43[%gather3A] in [0] : vector<16xi32>, vector<16xi32> -> vector<16xi32>
      tpu.vector_store_idx %arg11[%gather3A_51], %scan3A_41#0 masked %eq3A_21 {add = true} : memref<1024xf32, #tpu.memory_space<vmem>>[vector<16xi32>], vector<16xf32>, vector<16xi1>
      tpu.vector_store_idx %arg12[%gather3A_51], %scan3A_41#1 masked %eq3A_21 {add = true} : memref<1024xf32, #tpu.memory_space<vmem>>[vector<16xi32>], vector<16xf32>, vector<16xi1>
    } else {
    }
    "tpu.region"() ({
      %run_scoped3A = tpu.sem_alloc : memref<!tpu.dma_semaphore, #tpu.memory_space<semaphore_mem>>
      %dma_start3A_32 = arith.constant 0 : i32
      %dma_start3A_33 = tpu.memref_slice %arg5[%add3A, %dma_start3A_32] : memref<32x1024xf32, #tpu.memory_space<hbm>> -> memref<1x1024xf32, #tpu.memory_space<hbm>>
      %dma_start3A_34 = tpu.memref_squeeze %dma_start3A_33 : memref<1x1024xf32, #tpu.memory_space<hbm>> -> memref<1024xf32, #tpu.memory_space<hbm>>
      %dma_start3A_35 = arith.constant 0 : i32
      %dma_start3A_36 = tpu.memref_slice %arg5[%add3A, %dma_start3A_35] : memref<32x1024xf32, #tpu.memory_space<hbm>> -> memref<1x1024xf32, #tpu.memory_space<hbm>>
      %dma_start3A_37 = tpu.memref_squeeze %dma_start3A_36 : memref<1x1024xf32, #tpu.memory_space<hbm>> -> memref<1024xf32, #tpu.memory_space<hbm>>
      tpu.enqueue_dma source(%arg11 : memref<1024xf32, #tpu.memory_space<vmem>>) target(%dma_start3A_37 : memref<1024xf32, #tpu.memory_space<hbm>>) target_semaphore(%run_scoped3A : memref<!tpu.dma_semaphore, #tpu.memory_space<semaphore_mem>>)
      %dma_wait3A_38 = arith.constant 0 : i32
      %dma_wait3A_39 = tpu.memref_slice %arg5[%add3A, %dma_wait3A_38] : memref<32x1024xf32, #tpu.memory_space<hbm>> -> memref<1x1024xf32, #tpu.memory_space<hbm>>
      %dma_wait3A_40 = tpu.memref_squeeze %dma_wait3A_39 : memref<1x1024xf32, #tpu.memory_space<hbm>> -> memref<1024xf32, #tpu.memory_space<hbm>>
      %dma_wait3A_41 = arith.constant 0 : i32
      %dma_wait3A_42 = tpu.memref_slice %arg5[%add3A, %dma_wait3A_41] : memref<32x1024xf32, #tpu.memory_space<hbm>> -> memref<1x1024xf32, #tpu.memory_space<hbm>>
      %dma_wait3A_43 = tpu.memref_squeeze %dma_wait3A_42 : memref<1x1024xf32, #tpu.memory_space<hbm>> -> memref<1024xf32, #tpu.memory_space<hbm>>
      tpu.wait_dma2 semaphore(%run_scoped3A : memref<!tpu.dma_semaphore, #tpu.memory_space<semaphore_mem>>) src(%arg11 : memref<1024xf32, #tpu.memory_space<vmem>>) dst(%dma_wait3A_43 : memref<1024xf32, #tpu.memory_space<hbm>>)
      tpu.yield
    }) : () -> ()
    "tpu.region"() ({
      %run_scoped3A = tpu.sem_alloc : memref<!tpu.dma_semaphore, #tpu.memory_space<semaphore_mem>>
      %dma_start3A_32 = arith.constant 0 : i32
      %dma_start3A_33 = tpu.memref_slice %arg6[%add3A, %dma_start3A_32] : memref<32x1024xf32, #tpu.memory_space<hbm>> -> memref<1x1024xf32, #tpu.memory_space<hbm>>
      %dma_start3A_34 = tpu.memref_squeeze %dma_start3A_33 : memref<1x1024xf32, #tpu.memory_space<hbm>> -> memref<1024xf32, #tpu.memory_space<hbm>>
      %dma_start3A_35 = arith.constant 0 : i32
      %dma_start3A_36 = tpu.memref_slice %arg6[%add3A, %dma_start3A_35] : memref<32x1024xf32, #tpu.memory_space<hbm>> -> memref<1x1024xf32, #tpu.memory_space<hbm>>
      %dma_start3A_37 = tpu.memref_squeeze %dma_start3A_36 : memref<1x1024xf32, #tpu.memory_space<hbm>> -> memref<1024xf32, #tpu.memory_space<hbm>>
      tpu.enqueue_dma source(%arg12 : memref<1024xf32, #tpu.memory_space<vmem>>) target(%dma_start3A_37 : memref<1024xf32, #tpu.memory_space<hbm>>) target_semaphore(%run_scoped3A : memref<!tpu.dma_semaphore, #tpu.memory_space<semaphore_mem>>)
      %dma_wait3A_38 = arith.constant 0 : i32
      %dma_wait3A_39 = tpu.memref_slice %arg6[%add3A, %dma_wait3A_38] : memref<32x1024xf32, #tpu.memory_space<hbm>> -> memref<1x1024xf32, #tpu.memory_space<hbm>>
      %dma_wait3A_40 = tpu.memref_squeeze %dma_wait3A_39 : memref<1x1024xf32, #tpu.memory_space<hbm>> -> memref<1024xf32, #tpu.memory_space<hbm>>
      %dma_wait3A_41 = arith.constant 0 : i32
      %dma_wait3A_42 = tpu.memref_slice %arg6[%add3A, %dma_wait3A_41] : memref<32x1024xf32, #tpu.memory_space<hbm>> -> memref<1x1024xf32, #tpu.memory_space<hbm>>
      %dma_wait3A_43 = tpu.memref_squeeze %dma_wait3A_42 : memref<1x1024xf32, #tpu.memory_space<hbm>> -> memref<1024xf32, #tpu.memory_space<hbm>>
      tpu.wait_dma2 semaphore(%run_scoped3A : memref<!tpu.dma_semaphore, #tpu.memory_space<semaphore_mem>>) src(%arg12 : memref<1024xf32, #tpu.memory_space<vmem>>) dst(%dma_wait3A_43 : memref<1024xf32, #tpu.memory_space<hbm>>)
      tpu.yield
    }) : () -> ()
    %dma_wait3A = arith.constant 0 : i32
    %dma_wait3A_29 = tpu.memref_slice %arg2[%dma_wait3A] : memref<102400xf32, #tpu.memory_space<hbm>> -> memref<102400xf32, #tpu.memory_space<hbm>>
    tpu.wait_indirect_dma semaphore(%arg16 : memref<!tpu.dma_semaphore, #tpu.memory_space<semaphore_mem>>) src(%dma_wait3A_29 : memref<102400xf32, #tpu.memory_space<hbm>>) dst(%arg14 : memref<32xf32, #tpu.memory_space<vmem>>)
    %dma_wait3A_30 = arith.constant 0 : i32
    %dma_wait3A_31 = tpu.memref_slice %arg3[%dma_wait3A_30] : memref<100000xi32, #tpu.memory_space<hbm>> -> memref<100000xi32, #tpu.memory_space<hbm>>
    tpu.wait_indirect_dma semaphore(%arg16 : memref<!tpu.dma_semaphore, #tpu.memory_space<semaphore_mem>>) src(%dma_wait3A_31 : memref<100000xi32, #tpu.memory_space<hbm>>) dst(%arg15 : memref<32xi32, #tpu.memory_space<vmem>>)
    "tpu.region"() ({
      %run_scoped3A = tpu.sem_alloc : memref<!tpu.dma_semaphore, #tpu.memory_space<semaphore_mem>>
      %dma_start3A_32 = tpu.memref_slice %arg7[%mul3A_4] : memref<1024xf32, #tpu.memory_space<hbm>> -> memref<32xf32, #tpu.memory_space<hbm>>
      %dma_start3A_33 = tpu.memref_slice %arg7[%mul3A_4] : memref<1024xf32, #tpu.memory_space<hbm>> -> memref<32xf32, #tpu.memory_space<hbm>>
      tpu.enqueue_dma source(%arg14 : memref<32xf32, #tpu.memory_space<vmem>>) target(%dma_start3A_33 : memref<32xf32, #tpu.memory_space<hbm>>) target_semaphore(%run_scoped3A : memref<!tpu.dma_semaphore, #tpu.memory_space<semaphore_mem>>)
      %dma_wait3A_34 = tpu.memref_slice %arg7[%mul3A_4] : memref<1024xf32, #tpu.memory_space<hbm>> -> memref<32xf32, #tpu.memory_space<hbm>>
      %dma_wait3A_35 = tpu.memref_slice %arg7[%mul3A_4] : memref<1024xf32, #tpu.memory_space<hbm>> -> memref<32xf32, #tpu.memory_space<hbm>>
      tpu.wait_dma2 semaphore(%run_scoped3A : memref<!tpu.dma_semaphore, #tpu.memory_space<semaphore_mem>>) src(%arg14 : memref<32xf32, #tpu.memory_space<vmem>>) dst(%dma_wait3A_35 : memref<32xf32, #tpu.memory_space<hbm>>)
      tpu.yield
    }) : () -> ()
    "tpu.region"() ({
      %run_scoped3A = tpu.sem_alloc : memref<!tpu.dma_semaphore, #tpu.memory_space<semaphore_mem>>
      %dma_start3A_32 = tpu.memref_slice %arg8[%mul3A_4] : memref<1024xi32, #tpu.memory_space<hbm>> -> memref<32xi32, #tpu.memory_space<hbm>>
      %dma_start3A_33 = tpu.memref_slice %arg8[%mul3A_4] : memref<1024xi32, #tpu.memory_space<hbm>> -> memref<32xi32, #tpu.memory_space<hbm>>
      tpu.enqueue_dma source(%arg15 : memref<32xi32, #tpu.memory_space<vmem>>) target(%dma_start3A_33 : memref<32xi32, #tpu.memory_space<hbm>>) target_semaphore(%run_scoped3A : memref<!tpu.dma_semaphore, #tpu.memory_space<semaphore_mem>>)
      %dma_wait3A_34 = tpu.memref_slice %arg8[%mul3A_4] : memref<1024xi32, #tpu.memory_space<hbm>> -> memref<32xi32, #tpu.memory_space<hbm>>
      %dma_wait3A_35 = tpu.memref_slice %arg8[%mul3A_4] : memref<1024xi32, #tpu.memory_space<hbm>> -> memref<32xi32, #tpu.memory_space<hbm>>
      tpu.wait_dma2 semaphore(%run_scoped3A : memref<!tpu.dma_semaphore, #tpu.memory_space<semaphore_mem>>) src(%arg15 : memref<32xi32, #tpu.memory_space<vmem>>) dst(%dma_wait3A_35 : memref<32xi32, #tpu.memory_space<hbm>>)
      tpu.yield
    }) : () -> ()
    return
  }
}

module attributes {stable_mosaic.version = 14 : i64} {
  func.func @_matvec_body(%arg0: i32, %arg1: memref<25600x128xf32, #tpu.memory_space<vmem>>, %arg2: memref<1x128xf32, #tpu.memory_space<vmem>>, %arg3: memref<1x1xf32, #tpu.memory_space<vmem>>, %arg4: memref<200x128xf32, #tpu.memory_space<vmem>>) attributes {dimension_semantics = [#tpu.dimension_semantics<arbitrary>], iteration_bounds = array<i64: 4>, scalar_prefetch = 0 : i64, scratch_operands = 0 : i64, tpu.core_type = #tpu.core_type<tc>, window_params = [{transform_indices = @transform_0, window_bounds = array<i64: 25600, 128>}, {pipeline_mode = #tpu.pipeline_mode<synchronous>, transform_indices = @transform_1, window_bounds = array<i64: 1, 128>}, {pipeline_mode = #tpu.pipeline_mode<synchronous>, transform_indices = @transform_2, window_bounds = array<i64: 1, 1>}, {transform_indices = @transform_3, window_bounds = array<i64: 200, 128>}]} {
    %get3A = arith.constant 0 : index
    %get3A_0 = arith.constant 0 : index
    %get3A_1 = vector.load %arg1[%get3A, %get3A_0] : memref<25600x128xf32, #tpu.memory_space<vmem>>, vector<25600x128xf32>
    %get3A_2 = arith.constant 0 : index
    %get3A_3 = arith.constant 0 : index
    %get3A_4 = vector.load %arg2[%get3A_2, %get3A_3] : memref<1x128xf32, #tpu.memory_space<vmem>>, vector<1x128xf32>
    %dot_general3A = arith.constant dense<0.000000e+00> : vector<1x25600xf32>
    %dot_general3A_5 = tpu.matmul %get3A_4, %get3A_1, %dot_general3A {dimension_numbers = #tpu.dot_dimension_numbers<[1], [1], [0], [0], [0, 0, 1, 0], [], []>, transpose_lhs_hint = false} : vector<1x128xf32>, vector<25600x128xf32>, vector<1x25600xf32> -> vector<1x25600xf32>
    %get3A_6 = arith.constant 0 : index
    %get3A_7 = arith.constant 0 : index
    %get3A_8 = vector.load %arg3[%get3A_6, %get3A_7] : memref<1x1xf32, #tpu.memory_space<vmem>>, vector<1x1xf32>
    %get3A_9 = vector.extract %get3A_8[0, 0] : f32 from vector<1x1xf32>
    %add3A = vector.broadcast %get3A_9 : f32 to vector<1x25600xf32>
    %add3A_10 = arith.addf %dot_general3A_5, %add3A : vector<1x25600xf32>
    %reshape3A = vector.shape_cast %add3A_10 : vector<1x25600xf32> to vector<200x128xf32>
    %swap3A = arith.constant 0 : index
    %swap3A_11 = arith.constant 0 : index
    %swap3A_12 = vector.load %arg4[%swap3A, %swap3A_11] : memref<200x128xf32, #tpu.memory_space<vmem>>, vector<200x128xf32>
    tpu.vector_store %arg4[%swap3A, %swap3A_11], %reshape3A {strides = array<i32>} : memref<200x128xf32, #tpu.memory_space<vmem>>, vector<200x128xf32>,
    return
  }
  func.func @transform_0(%arg0: i32) -> (i32, i32) {
    %c0_i32 = arith.constant 0 : i32
    %c0_i32_0 = arith.constant 0 : i32
    return %arg0, %c0_i32 : i32, i32
  }
  func.func @transform_1(%arg0: i32) -> (i32, i32) {
    %c0_i32 = arith.constant 0 : i32
    %c0_i32_0 = arith.constant 0 : i32
    %c0_i32_1 = arith.constant 0 : i32
    return %c0_i32, %c0_i32_0 : i32, i32
  }
  func.func @transform_2(%arg0: i32) -> (i32, i32) {
    %c0_i32 = arith.constant 0 : i32
    %c0_i32_0 = arith.constant 0 : i32
    %c0_i32_1 = arith.constant 0 : i32
    return %c0_i32, %c0_i32_0 : i32, i32
  }
  func.func @transform_3(%arg0: i32) -> (i32, i32) {
    %c0_i32 = arith.constant 0 : i32
    %c0_i32_0 = arith.constant 0 : i32
    return %arg0, %c0_i32 : i32, i32
  }
}

module attributes {stable_mosaic.version = 14 : i64} {
  func.func @_fin_body(%arg0: memref<32x1024xf32, #tpu.memory_space<vmem>>, %arg1: memref<32x1024xf32, #tpu.memory_space<vmem>>, %arg2: memref<1024xf32, #tpu.memory_space<vmem>>, %arg3: memref<1024xi32, #tpu.memory_space<vmem>>, %arg4: memref<1024xf32, #tpu.memory_space<vmem>>, %arg5: memref<1x1xf32, #tpu.memory_space<vmem>>) attributes {dimension_semantics = [], scalar_prefetch = 0 : i64, scratch_operands = 0 : i64, tpu.core_type = #tpu.core_type<tc>} {
    %get3A = arith.constant 0 : index
    %get3A_0 = arith.constant 0 : index
    %get3A_1 = vector.load %arg0[%get3A, %get3A_0] : memref<32x1024xf32, #tpu.memory_space<vmem>>, vector<32x1024xf32>
    %reduce_sum3A = arith.constant dense<0.000000e+00> : vector<1024xf32>
    %reduce_sum3A_2 = vector.multi_reduction <add>, %get3A_1, %reduce_sum3A [0] : vector<32x1024xf32> to vector<1024xf32>
    %get3A_3 = arith.constant 0 : index
    %get3A_4 = arith.constant 0 : index
    %get3A_5 = vector.load %arg1[%get3A_3, %get3A_4] : memref<32x1024xf32, #tpu.memory_space<vmem>>, vector<32x1024xf32>
    %reduce_sum3A_6 = arith.constant dense<0.000000e+00> : vector<1024xf32>
    %reduce_sum3A_7 = vector.multi_reduction <add>, %get3A_5, %reduce_sum3A_6 [0] : vector<32x1024xf32> to vector<1024xf32>
    %gt3A = arith.constant 0.000000e+00 : f32
    %gt3A_8 = vector.broadcast %gt3A : f32 to vector<1024xf32>
    %gt3A_9 = arith.cmpf ogt, %reduce_sum3A_2, %gt3A_8 : vector<1024xf32>
    %jit3A = arith.constant 1.000000e+00 : f32
    %broadcast_in_dim3A = vector.broadcast %jit3A : f32 to vector<1024xf32>
    %select_n3A = arith.select %gt3A_9, %reduce_sum3A_2, %broadcast_in_dim3A : vector<1024xi1>, vector<1024xf32>
    %log3A = math.log %select_n3A : vector<1024xf32>
    %div3A = arith.divf %reduce_sum3A_7, %select_n3A : vector<1024xf32>
    %sub3A = arith.subf %log3A, %div3A : vector<1024xf32>
    %jit3A_10 = arith.constant 0.000000e+00 : f32
    %broadcast_in_dim3A_11 = vector.broadcast %jit3A_10 : f32 to vector<1024xf32>
    %select_n3A_12 = arith.select %gt3A_9, %sub3A, %broadcast_in_dim3A_11 : vector<1024xi1>, vector<1024xf32>
    %reduce_sum3A_13 = vector.shape_cast %select_n3A_12 : vector<1024xf32> to vector<1x1024xf32>
    %reduce_sum3A_14 = arith.constant dense<0.000000e+00> : vector<1xf32>
    %reduce_sum3A_15 = vector.multi_reduction <add>, %reduce_sum3A_13, %reduce_sum3A_14 [1] : vector<1x1024xf32> to vector<1xf32>
    %reduce_sum3A_16 = vector.shape_cast %reduce_sum3A_15 : vector<1xf32> to vector<1x1xf32>
    %reduce_sum3A_17 = vector.extract %reduce_sum3A_16[0, 0] : f32 from vector<1x1xf32>
    %div3A_18 = arith.constant 1.024000e+03 : f32
    %div3A_19 = arith.divf %reduce_sum3A_17, %div3A_18 : f32
    %reshape3A = vector.broadcast %div3A_19 : f32 to vector<1x1xf32>
    %swap3A = arith.constant 0 : index
    %swap3A_20 = arith.constant 0 : index
    %swap3A_21 = vector.load %arg5[%swap3A, %swap3A_20] : memref<1x1xf32, #tpu.memory_space<vmem>>, vector<1x1xf32>
    tpu.vector_store %arg5[%swap3A, %swap3A_20], %reshape3A {strides = array<i32>} : memref<1x1xf32, #tpu.memory_space<vmem>>, vector<1x1xf32>,
    %get3A_22 = arith.constant 0 : index
    %get3A_23 = vector.load %arg3[%get3A_22] : memref<1024xi32, #tpu.memory_space<vmem>>, vector<1024xi32>
    %iota3A = tpu.iota {dimensions = array<i32: 1>} : vector<1024x1024xi32>
    %broadcast_in_dim3A_24 = vector.shape_cast %get3A_23 : vector<1024xi32> to vector<1024x1xi32>
    %eq3A = vector.broadcast %broadcast_in_dim3A_24 : vector<1024x1xi32> to vector<1024x1024xi32>
    %eq3A_25 = arith.cmpi eq, %eq3A, %iota3A : vector<1024x1024xi32>
    %convert_element_type3A = arith.extui %eq3A_25 : vector<1024x1024xi1> to vector<1024x1024xi32>
    %convert_element_type3A_26 = arith.sitofp %convert_element_type3A : vector<1024x1024xi32> to vector<1024x1024xf32>
    %broadcast_in_dim3A_27 = vector.shape_cast %reduce_sum3A_2 : vector<1024xf32> to vector<1x1024xf32>
    %mul3A = vector.broadcast %broadcast_in_dim3A_27 : vector<1x1024xf32> to vector<1024x1024xf32>
    %mul3A_28 = arith.mulf %convert_element_type3A_26, %mul3A : vector<1024x1024xf32>
    %reduce_sum3A_29 = arith.constant dense<0.000000e+00> : vector<1024xf32>
    %reduce_sum3A_30 = vector.multi_reduction <add>, %mul3A_28, %reduce_sum3A_29 [1] : vector<1024x1024xf32> to vector<1024xf32>
    %get3A_31 = arith.constant 0 : index
    %get3A_32 = vector.load %arg2[%get3A_31] : memref<1024xf32, #tpu.memory_space<vmem>>, vector<1024xf32>
    %exp3A = math.exp %get3A_32 : vector<1024xf32>
    %div3A_33 = arith.divf %exp3A, %reduce_sum3A_30 : vector<1024xf32>
    %add3A = arith.constant 9.99999996E-13 : f32
    %add3A_34 = vector.broadcast %add3A : f32 to vector<1024xf32>
    %add3A_35 = arith.addf %div3A_33, %add3A_34 : vector<1024xf32>
    %log3A_36 = math.log %add3A_35 : vector<1024xf32>
    %swap3A_37 = arith.constant 0 : index
    %swap3A_38 = vector.load %arg4[%swap3A_37] : memref<1024xf32, #tpu.memory_space<vmem>>, vector<1024xf32>
    tpu.vector_store %arg4[%swap3A_37], %log3A_36 {strides = array<i32>} : memref<1024xf32, #tpu.memory_space<vmem>>, vector<1024xf32>,
    return
  }
}

</mosaic_0001>

<sc_bundles>
// kernel: kernel.5.cloned.1.call-start
scs
__scs_entry_jumppad:
0x0: {  	(pc) =	sbr.rel $0x88, $3  }
0x1: {  	(tag) =	ssettag $0x0;
	lr =	simm.s32 $0x1  }
0x2: {  	[smem:$0x3F9C] =	sst lr;
	_ =	strace $0xD0000000  }
0x3: {  	_ = 	snop  }
0x4: {  	_ = 	snop  }
0x5: {  	_ = 	snop  }
0x6: {  	_ = 	snop  }
0x7: {  	_ = 	snop  }
__scs_overlays_trampoline_lowered:
0x8: {  	[smem:$0x3FAB] =	sst s0  }
0x9: {  	[smem:$0x3FAC] =	sst s1  }
0xa: {  	[smem:$0x3FAD] =	sst s2  }
0xb: {  	[smem:$0x3FAE] =	sst s3  }
0xc: {  	[smem:$0x3FAF] =	sst s4  }
0xd: {  	[smem:$0x3FB0] =	sst s5  }
0xe: {  	[smem:$0x3FB1] =	sst s6  }
0xf: {  	[smem:$0x3FB2] =	sst s7  }
0x10: {  	[smem:$0x3FB3] =	sst s8  }
0x11: {  	[smem:$0x3FB4] =	sst s9;
	s0 =	simm.s32 @!p0 $0x0  }
0x12: {  	s1 =	sld [smem:$0x3F9A];
	s0 =	simm.s32 @p0 $0x1  }
0x13: {  	[smem:$0x3FB5] =	sst s0;
	s0 =	simm.s32 @!p1 $0x0  }
0x14: {  	s2 =	sld [smem:$0x3F99];
	s0 =	simm.s32 @p1 $0x1  }
0x15: {  	[smem:$0x3FB6] =	sst s0;
	s0 =	simm.s32 @!p2 $0x0  }
0x16: {  	s3 =	sld [smem:$0x3FDB];
	s0 =	simm.s32 @p2 $0x1  }
0x17: {  	s4 =	simm.s32 $0x1BF5;
	[smem:$0x3FB8] =	sst s0  }
0x18: {  	s0 =	sld [smem:$0x3F9B];
	_ =	swait.ge [sflag:s4], $0x0  }
0x19: {  	s7 =	sld [smem:$0x3F9C]  }
0x1a: {  	s8 =	sadd.s32 $0xFFFFE003, lr  }
0x1b: {  	s9 =	sadd.s32 $0xFFFFFEF7, lr;
	s5 =	simm.s32 $0xFFFFFFFF;
	p2 =	slt.u32 s8, $0xFFFFF086  }
0x1c: {  	p1 =	slt.u32 s9, $0xF7A;
	s5 =	simm.s32 @!p2 $0x0  }
0x1d: {  	s5 =	simm.s32 @p1 $0x1;
	p0 =	seq.s32 s7, s2  }
0x1e: {  	s7 =	smul.u32 @!p0 $0xF7A, s2;
	p2 =	seq.s32 @!p0 s5, $0x0  }
0x1f: {  	s9 =	smul.u32 $0xF7A, s1;
	s8 =	simm.s32 @!p0 $0x1BF5;
	p2 =	por !p2, p0  }
0x20: {  	[sflag:s8] =	ssyncset.s32 @!p0 $0xFFFFF086;
	s6 =	sadd.s32 @!p0 s3, s7;
	s7 =	simm.s32 @!p0 $0x108  }
0x21: {  	s3 =	sadd.s32 s3, s9;
	s6 =	sadd.s32 @!p0 $0x88, s6;
	s7 =	simm.s32 @p2 $0x1082  }
0x22: {  	[simem:s7], [sflag:s8] =	dma.local @!p0 [hbm:s6], $0xF7A  }
0x23: {  	s9 =	sor.u32 $0xD0000000, s2;
	s6 =	simm.s32 $0x108;
	_ =	swait.ge @!p0 [sflag:s8], $0x0  }
0x24: {  	s3 =	sadd.s32 $0x88, s3;
	s6 =	simm.s32 @!p1 $0x1082;
	[sflag:s4] =	ssyncset.s32 $0xFFFFF086  }
0x25: {  	[simem:s6], [sflag:s4] =	dma.local [hbm:s3], $0xF7A  }
0x26: {  	[smem:$0x3F9C] =	sst s1;
	(tag) =	ssettag s2;
	_ =	strace s9  }
0x27: {  	s1 =	sld [smem:$0x3FAC]  }
0x28: {  	s2 =	sld [smem:$0x3FAD]  }
0x29: {  	s4 =	sld [smem:$0x3FAF]  }
0x2a: {  	p0 =	seq.s32 s5, $0x0;
	s5 =	sld [smem:$0x3FB0]  }
0x2b: {  	s6 =	sld [smem:$0x3FB1]  }
0x2c: {  	s7 =	sld [smem:$0x3FB2]  }
0x2d: {  	s3 =	simm.s32 $0x108;
	s8 =	sld [smem:$0x3FB3]  }
0x2e: {  	s3 =	simm.s32 @!p0 $0x1082;
	s9 =	sld [smem:$0x3FB4]  }
0x2f: {  	lr =	sadd.s32 s0, s3;
	s0 =	sld [smem:$0x3FAB]  }
0x30: {  	s3 =	sld [smem:$0x3FAE]  }
0x31: {  	[smem:$0x3FB7] =	sst s10  }
0x32: {  	s10 =	sld [smem:$0x3FB5];
	_ =	sdelay $0x3  }
0x33: {  	p0 =	seq.s32 s10, $0x1;
	s10 =	sld [smem:$0x3FB7];
	_ =	sdelay $0x3  }
0x34: {  	[smem:$0x3FB7] =	sst s10  }
0x35: {  	s10 =	sld [smem:$0x3FB6];
	_ =	sdelay $0x3  }
0x36: {  	p1 =	seq.s32 s10, $0x1;
	s10 =	sld [smem:$0x3FB7];
	_ =	sdelay $0x3  }
0x37: {  	[smem:$0x3FB7] =	sst s10  }
0x38: {  	s10 =	sld [smem:$0x3FB8]  }
0x39: {  	_ = 	snop;
	(pc) =	sbr.ind lr, $3  }
0x3a: {  	_ = 	snop  }
0x3b: {  	_ = 	snop  }
0x3c: {  	p2 =	seq.s32 s10, $0x1;
	s10 =	sld [smem:$0x3FB7]  }
0x3d: {  	_ =	shalt  }
0x3e: {  	_ =	shalt  }
0x3f: {  	_ =	shalt  }
0x40: {  	_ =	shalt  }
0x41: {  	_ =	shalt  }
0x42: {  	_ =	shalt  }
0x43: {  	_ =	shalt  }
0x44: {  	_ =	shalt  }
0x45: {  	_ =	shalt  }
0x46: {  	_ =	shalt  }
0x47: {  	_ =	shalt  }
0x48: {  	_ =	shalt  }
0x49: {  	_ =	shalt  }
0x4a: {  	_ =	shalt  }
0x4b: {  	_ =	shalt  }
0x4c: {  	_ =	shalt  }
0x4d: {  	_ =	shalt  }
0x4e: {  	_ =	shalt  }
0x4f: {  	_ =	shalt  }
0x50: {  	_ =	shalt  }
0x51: {  	_ =	shalt  }
0x52: {  	_ =	shalt  }
0x53: {  	_ =	shalt  }
0x54: {  	_ =	shalt  }
0x55: {  	_ =	shalt  }
0x56: {  	_ =	shalt  }
0x57: {  	_ =	shalt  }
0x58: {  	_ =	shalt  }
0x59: {  	_ =	shalt  }
0x5a: {  	_ =	shalt  }
0x5b: {  	_ =	shalt  }
0x5c: {  	_ =	shalt  }
0x5d: {  	_ =	shalt  }
0x5e: {  	_ =	shalt  }
0x5f: {  	_ =	shalt  }
0x60: {  	_ =	shalt  }
0x61: {  	_ =	shalt  }
0x62: {  	_ =	shalt  }
0x63: {  	_ =	shalt  }
0x64: {  	_ =	shalt  }
0x65: {  	_ =	shalt  }
0x66: {  	_ =	shalt  }
0x67: {  	_ =	shalt  }
0x68: {  	_ =	shalt  }
0x69: {  	_ =	shalt  }
0x6a: {  	_ =	shalt  }
0x6b: {  	_ =	shalt  }
0x6c: {  	_ =	shalt  }
0x6d: {  	_ =	shalt  }
0x6e: {  	_ =	shalt  }
0x6f: {  	_ =	shalt  }
0x70: {  	_ =	shalt  }
0x71: {  	_ =	shalt  }
0x72: {  	_ =	shalt  }
0x73: {  	_ =	shalt  }
0x74: {  	_ =	shalt  }
0x75: {  	_ =	shalt  }
0x76: {  	_ =	shalt  }
0x77: {  	_ =	shalt  }
0x78: {  	_ =	shalt  }
0x79: {  	_ =	shalt  }
0x7a: {  	_ =	shalt  }
0x7b: {  	_ =	shalt  }
0x7c: {  	_ =	shalt  }
0x7d: {  	_ =	shalt  }
0x7e: {  	_ =	shalt  }
0x7f: {  	_ =	shalt  }
0x80: {  	_ =	shalt  }
0x81: {  	_ =	shalt  }
0x82: {  	_ =	shalt  }
0x83: {  	_ =	shalt  }
0x84: {  	_ =	shalt  }
0x85: {  	_ =	shalt  }
0x86: {  	_ =	shalt  }
0x87: {  	_ =	shalt  }
.Lfunc_end0:
.L_simem_size_0:
called_computation_lowered:
.L_overlay_start_0:
0x88: {  	s2 =	sld [smem:$0x3FD9]  }
0x89: {  	s3 =	sld [smem:$0x3FFE];
	_ =	sdelay $0x1  }
0x8a: {  	s1 =	srdreg.scid  }
0x8b: {  	s0 =	sand.u32 $0x1, s1  }
0x8c: {  	s14 =	sshll.u32 s0, $0xA;
	s2 =	sadd.s32 s3, s2  }
0x8d: {  	s2 =	sadd.s32 s2, s14  }
0x8e: {  	[smem:$0x3FC3] =	sst s2  }
0x8f: {  	_ = 	snop  }
0x90: {  	s2 =	sld [smem:$0x3FD0];
	_ =	sdelay $0x1  }
0x91: {  	s15 =	sld [smem:$0x3FC9]  }
0x92: {  	s5 =	simm.s32 $0xA;
	s6 =	simm.s32 $0x10;
	s4 =	sld [smem:$0x3FC7]  }
0x93: {  	[smem:s6], [sflag:s5] =	dma.local [hbm:s2], $0x1  }
0x94: {  	_ =	swait.eq [sflag:s5], $0x1  }
0x95: {  	[sflag:s5] =	ssyncset.done $0x0  }
0x96: {  	[sflag:s5] =	ssyncadd.s32 $0xFFFFFFFF  }
0x97: {  	s16 =	sld [smem:$0x10];
	(tm) =	ssettm $0x1  }
0x98: {  	s17 =	sld [smem:$0x3FFB];
	_ =	sdelay $0x3  }
0x99: {  	_ =	strace s17  }
0x9a: {  	s5 =	sld [smem:$0x3FFC];
	_ =	sdelay $0x3  }
0x9b: {  	_ =	strace s5  }
0x9c: {  	s5 =	sld [smem:$0x3FFD];
	_ =	sdelay $0x3  }
0x9d: {  	_ =	strace s5  }
0x9e: {  	_ =	strace $0x8FFFFFFF  }
0x9f: {  	s18 =	sld [smem:$0x3FDB];
	_ =	sdelay $0x1  }
0xa0: {  	s19 =	simm.s32 $_scs_section_size  }
0xa1: {  	s7 =	simm.s32 $_size__tile_overlayer_lowered;
	s8 =	simm.s32 $_tile_overlayer_lowered  }
0xa2: {  	s22 =	simm.s32 $0x1BFF;
	s21 =	sshll.u32 s8, $0x1;
	s5 =	sadd.s32 s19, s18  }
0xa3: {  	s9 =	simm.s32 $0x0;
	s20 =	sshll.u32 s7, $0x1;
	s7 =	sadd.s32 s21, s5  }
0xa4: {  	[timem:s9], [sflag:s22] =	dma.local [hbm:s7], s20  }
0xa5: {  	_ =	swait.ge [sflag:s22], s20  }
0xa6: {  	s6 =	ssub.s32 $0x0, s20;
	[sflag:s22] =	ssyncset.done $0x0  }
0xa7: {  	[sflag:s22] =	ssyncadd.s32 s6;
	_ =	sdelay $0x1  }
0xa8: {  	s23 =	simm.s32 $0x1B8B  }
0xa9: {  	_ =	swait.ge [sflag:s23], $0x1  }
0xaa: {  	[sflag:s23] =	ssyncset.done $0x0  }
0xab: {  	s25 =	simm.s32 $0x1B8E;
	s24 =	sld [smem:$0x3FFE];
	[sflag:s23] =	ssyncadd.s32 $0xFFFFFFFF  }
0xac: {  	s26 =	simm.s32 $execute0_lowered;
	[smem:$0x3FD2] =	sst s25  }
0xad: {  	s7 =	sshll.u32 s26, $0x1;
	_ =	strace $0x80000046;
	[dreg:$0x1] =	wrdreg $0xFFFFFFFF  }
0xae: {  	s28 =	simm.s32 $_size_execute0_lowered;
	s5 =	sadd.s32 s5, s7;
	[dreg:$0x0] =	wrdreg $0x0  }
0xaf: {  	s7 =	sshll.u32 s28, $0x1;
	[dreg:$0x2] =	wrdreg s5  }
0xb0: {  	[dreg:$0x3] =	wrdreg s7  }
0xb1: {  	[dreg:$0x4] =	wrdreg $0xC0  }
0xb2: {  	_ =	task [dreg:s9], $0x5FFFF  }
0xb3: {  	[dreg:$0x1] =	wrdreg $0xFFFFFFFF  }
0xb4: {  	[dreg:$0x0] =	wrdreg $0x60  }
0xb5: {  	[dreg:$0x2] =	wrdreg s24  }
0xb6: {  	[dreg:$0x3] =	wrdreg s4  }
0xb7: {  	[dreg:$0x4] =	wrdreg s15  }
0xb8: {  	[dreg:$0x5] =	wrdreg s16  }
0xb9: {  	[dreg:$0x6] =	wrdreg $0x9  }
0xba: {  	_ =	task.clear_ibuf [dreg:s9], $0x7FFFF;
	_ =	strace $0x90000046  }
0xbb: {  	s29 =	simm.s32 $0x9;
	_ =	strace $0x80000048  }
0xbc: {  	_ =	swait.ge [sflag:s29], $0x1  }
0xbd: {  	[sflag:s29] =	ssyncadd.s32 $0xFFFFFFFF  }
0xbe: {  	_ =	strace $0x90000048  }
0xbf: {  	_ =	sfence  }
0xc0: {  	s30 =	sld [smem:$0x0];
	_ =	sdelay $0x2  }
0xc1: {  	s31 =	sshll.u32 s1, $0xD;
	s1 =	sshrl.u32 s1, $0x2  }
0xc2: {  	s3 =	sand.u32 $0x4000, s31;
	s1 =	sadd.s32 s1, s30  }
0xc3: {  	s0 =	sor.u32 s3, s0;
	s1 =	sshll.u32 s1, $0x11  }
0xc4: {  	s0 =	sor.u32 s1, s0  }
0xc5: {  	s0 =	sadd.s32 $0x8F2B, s0  }
0xc6: {  	[sflag:s0] =	ssyncadd.remote.s32 $0x1  }
0xc7: {  	_ =	sfence.sel $0xFFFF  }
0xc8: {  	[dreg:$0x0] =	wrdreg $0xFFFFFFFF;
	(pc) =	sbr.abs _section_cstart, $3  }
0xc9: {  	[dreg:$0x1] =	wrdreg $0xFFFFFFFF  }
0xca: {  	_ =	task.clear_ibuf [dreg:s9], $0x2FFFF;
	_ =	strace $0x9FFFFFFF  }
0xcb: {  	(tm) =	ssettm $0x7FFFFFFF  }
tec
execute0_lowered:
.L_overlay_start_1:
0x0: {  	(tag) =	ssettag $0x1  }
0x1: {  	s8 =	rddreg [dreg:$0x0]  }
0x2: {  	s1 =	rddreg [dreg:$0x1]  }
0x3: {  	s5 =	rddreg [dreg:$0x2];
	s2 =	srdreg.scid  }
0x4: {  	s0 =	stileid.u32;
	s12 =	rddreg [dreg:$0x3];
	s16 =	simm.s32 $0x2  }
0x5: {  	s17 =	simm.s32 $0x20;
	s18 =	simm.s32 $0x2200;
	s19 =	simm.s32 $0x2280  }
0x6: {  	s21 =	simm.s32 $0x1980;
	s22 =	simm.s32 $0x1D80;
	s23 =	simm.s32 $0x80  }
0x7: {  	s24 =	simm.s32 $0x400;
	s25 =	simm.s32 $0x1;
	s26 =	simm.s32 $0x0  }
0x8: {  	s6 =	sand.u32 $0x1, s2;
	s3 =	sshll.u32 s0, $0x1;
	s2 =	rddreg [dreg:$0x4]  }
0x9: {  	s4 =	sshll.u32 s0, $0x8;
	s20 =	sor.u32 s6, s3;
	s3 =	simm.s32 $0x0  }
0xa: {  	s6 =	ssub.s32 $0x2, s6;
	s7 =	sshll.u32 s20, $0x4;
	[smem:$0x7FF] =	sst s3  }
0xb: {  	s13 =	sshll.u32 s20, $0x2;
	s9 =	smul.u32 $0x190, s20;
	s31 =	sshrl.u32 s6, $0x1  }
0xc: {  	p0 =	seq.s32 s20, $0x1F;
	s20 =	simm.s32 $0xC90;
	s7 =	sor.u32 s4, s7  }
0xd: {  	_ =	strace $0x80000047;
	s4 =	sadd.s32 $0x1600, s8;
	s14 =	sadd.s32 s13, s8  }
.Ltmp0:
0xe: {  	s15 =	ssub.s32 s6, s31;
	s5 =	sadd.s32 s5, s13;
	(pc) =	sbr.rel .LBB2_1-.Ltmp0, $4  }
0xf: {  	s12 =	sadd.s32 s12, s13;
	s7 =	sand.u32 $0xC70, s7;
	s6 =	sadd.s32 s4, s9  }
0x10: {  	s13 =	sadd.s32 $0x6800, s14;
	s14 =	smax.u32 s15, $0x1;
	s15 =	simm.s32 $0x2180  }
0x11: {  	s11 =	sadd.s32 s7, s8;
	s7 =	sadd.s32 s1, s9;
	s8 =	sadd.s32 $0x4670, s8  }
0x12: {  	v0 =	vimm.f32 $0.0e+00;
	v1 =	vimm.s32 $0x0;
	v2 =	vimm.s32 $0xF;
	s9 =	sadd.s32 $0x3070, s1;
	s10 =	sadd.s32 $0x4800, s11;
	s11 =	sadd.s32 $0x5800, s11  }
.LBB2_10:
0x13: {  	v5 =	vld [tilespmem:s28+$0x0];
	_ =	sdelay $0x4  }
0x14: {  	v5 =	vperm.xlane v5, v2;
	_ =	sdelay $0x5  }
0x15: {  	[tilespmem:v5+s21+$0x0] =	vst.idx.add.f32.msk $0x1, v4  }
0x16: {  	[tilespmem:v5+s22+$0x0] =	vst.idx.add.f32.msk $0x1, v3  }
0x17: {  	[hbm4b:s10+s23] =	stream.strided.scatter [tilespmem:s21], [sflag:$0x2], $0x400, s24, s23, $0x38;
	[tilespmem:$0x2300] =	vst v63  }
0x18: {  	_ =	swait.ge [sflag:s16], $0x400  }
0x19: {  	[sflag:s16] =	ssyncset.done $0x0  }
0x1a: {  	[sflag:s16] =	ssyncadd.s32 $0xFFFFFC00  }
0x1b: {  	[hbm4b:s11+s23] =	stream.strided.scatter [tilespmem:s22], [sflag:$0x2], $0x400, s24, s23, $0x38;
	[tilespmem:$0x2300] =	vst v63  }
0x1c: {  	_ =	swait.ge [sflag:s16], $0x400  }
0x1d: {  	[sflag:s16] =	ssyncset.done $0x0  }
0x1e: {  	[sflag:s16] =	ssyncadd.s32 $0xFFFFFC00  }
0x1f: {  	_ =	swait.ge [sflag:s25], $0x20  }
0x20: {  	[sflag:s25] =	ssyncset.done $0x0  }
0x21: {  	[sflag:s25] =	ssyncadd.s32 $0xFFFFFFE0  }
0x22: {  	_ =	swait.ge [sflag:s25], $0x20  }
0x23: {  	[sflag:s25] =	ssyncset.done $0x0  }
0x24: {  	[sflag:s25] =	ssyncadd.s32 $0xFFFFFFE0  }
0x25: {  	[hbm4b:s12+s3] =	stream.linear.scatter [tilespmem:s18], [sflag:$0x2], $0x20, $0x38;
	[tilespmem:$0x2300] =	vst v63  }
0x26: {  	s26 =	sadd.s32 $0x1, s26;
	_ =	swait.ge [sflag:s16], $0x20  }
0x27: {  	p1 =	sne.s32 s26, s14;
	[sflag:s16] =	ssyncset.done $0x0  }
.Ltmp1:
0x28: {  	[sflag:s16] =	ssyncadd.s32 $0xFFFFFFE0;
	(pc) =	sbr.rel @!p1 .LBB2_11-.Ltmp1, $4  }
0x29: {  	[hbm4b:s13+s3] =	stream.linear.scatter [tilespmem:s19], [sflag:$0x2], $0x20, $0x38;
	[tilespmem:$0x2300] =	vst v63  }
0x2a: {  	_ =	swait.ge [sflag:s16], $0x20  }
0x2b: {  	[sflag:s16] =	ssyncset.done $0x0  }
0x2c: {  	[sflag:s16] =	ssyncadd.s32 $0xFFFFFFE0  }
.LBB2_1:
0x2d: {  	[tilespmem:s15], [sflag:$0x2] =	stream.linear.gather [hbm4b:s5+s3], $0x20, $0x38;
	[tilespmem:$0x2300] =	vst v63  }
0x2e: {  	_ =	swait.ge [sflag:s16], $0x20  }
0x2f: {  	[sflag:s16] =	ssyncset.done $0x0  }
0x30: {  	[sflag:s16] =	ssyncadd.s32 $0xFFFFFFE0  }
0x31: {  	[tilespmem:s18], [sflag:$0x1] =	stream.indirect.gather [hbm4b:s4+s17], $0x1, s15, s17, $0xb8;
	[tilespmem:$0x2300] =	vst v63  }
0x32: {  	s28 =	simm.s32 $0x40;
	s29 =	simm.s32 $0x0  }
0x33: {  	[tilespmem:s19], [sflag:$0x1] =	stream.indirect.gather [hbm4b:s1+s17], $0x1, s15, s17, $0xb8;
	[tilespmem:$0x2300] =	vst v63  }
.LBB2_2:
0x34: {  	p1 =	sne.s32 s28, $0xFC0;
	[tilespmem:s29+$0x1980] =	vst v0;
	s30 =	smov.u32 s28;
	s28 =	sadd.s32 $0x40, s28  }
.Ltmp2:
0x35: {  	[tilespmem:s29+$0x1D80] =	vst v0;
	(pc) =	sbr.rel @p1 .LBB2_2-.Ltmp2, $2  }
0x36: {  	_ =	sdelay $0x2  }
0x37: {  	s29 =	sshra.s32 s30, $0x2  }
.Ltmp3:
0x38: {  	(pc) =	sbr.rel @!p0 .LBB2_4-.Ltmp3, $3  }
0x39: {  	_ =	sdelay $0x1  }
0x3a: {  	[tilespmem:s29+$0x1980] =	vst v0  }
0x3b: {  	[tilespmem:s29+$0x1D80] =	vst v0  }
0x3c: {  	[tilespmem:s3], [sflag:$0x2] =	stream.linear.gather [hbm4b:s8+s3], $0x320, $0x38;
	[tilespmem:$0x2300] =	vst v63  }
0x3d: {  	_ =	swait.ge [sflag:s16], $0x320  }
0x3e: {  	[sflag:s16] =	ssyncset.done $0x0  }
0x3f: {  	[sflag:s16] =	ssyncadd.s32 $0xFFFFFCE0  }
0x40: {  	[tilespmem:s20], [sflag:$0x2] =	stream.linear.gather [hbm4b:s9+s3], $0x320, $0x38;
	[tilespmem:$0x2300] =	vst v63  }
0x41: {  	_ =	swait.ge [sflag:s16], $0x320  }
0x42: {  	[sflag:s16] =	ssyncset.done $0x0  }
0x43: {  	[sflag:s16] =	ssyncadd.s32 $0xFFFFFCE0  }
0x44: {  	v3 =	vimm.f32 $0.0e+00;
	s28 =	simm.s32 $0xFFFFFFFE;
	s29 =	simm.s32 $0xCA0;
	s30 =	simm.s32 $0x10;
	v4 =	vimm.f32 $0.0e+00;
	[tilespmem:$0xC80] =	vst v1  }
.LBB2_8:
0x45: {  	v5 =	vld [tilespmem:s30+$0xFFFFFFF0];
	_ =	sdelay $0x4  }
0x46: {  	v6 =	vmul.f32 $1.442695020e+00, v5;
	_ =	sdelay $0x1  }
0x47: {  	(erf) = vpow2.f32 v6;
	_ =	sdelay $0x8  }
0x48: {  	v6 =	vpop (erf)  }
0x49: {  	v5 =	vmul.f32 v6, v5;
	(xrf2) =	vadd.scan.msk.f32 $0xffff, v6;
	_ =	sdelay $0x1  }
0x4a: {  	(xrf2) =	vadd.scan.msk.f32 $0xffff, v5;
	_ =	sdelay $0x1  }
0x4b: {  	v7 =	vld [tilespmem:s29+$0xFFFFFFF0]  }
0x4c: {  	v8 =	vld [tilespmem:s29+$0xFFFFFFEF];
	_ =	sdelay $0x4  }
0x4d: {  	vm0 =	vne.s32 v8, v7;
	v9, _, _ =	vpop (xrf2)  }
0x4e: {  	v4 =	vadd.f32 v9, v4  }
0x4f: {  	v59, _, _ =	vpop (xrf2)  }
0x50: {  	v3 =	vadd.f32 v59, v3;
	v6 =	vsub.f32 v4, v6;
	_ =	sdelay $0x1  }
0x51: {  	v5 =	vsub.f32 v3, v5;
	v60 =	vsub.f32 $0.0e+00, v6  }
0x52: {  	[tilespmem:v8+s21+$0x0] =	vst.idx.add.f32.msk vm0, v6  }
0x53: {  	[tilespmem:v7+s21+$0x0] =	vst.idx.add.f32.msk vm0, v60;
	v6 =	vsub.f32 $0.0e+00, v5  }
0x54: {  	[tilespmem:v8+s22+$0x0] =	vst.idx.add.f32.msk vm0, v5  }
0x55: {  	[tilespmem:v7+s22+$0x0] =	vst.idx.add.f32.msk vm0, v6  }
0x56: {  	v5 =	vld [tilespmem:s30+$0x0];
	_ =	sdelay $0x4  }
0x57: {  	v6 =	vmul.f32 $1.442695020e+00, v5;
	_ =	sdelay $0x1  }
0x58: {  	(erf) = vpow2.f32 v6;
	_ =	sdelay $0x8  }
0x59: {  	v6 =	vpop (erf)  }
0x5a: {  	v5 =	vmul.f32 v6, v5;
	(xrf2) =	vadd.scan.msk.f32 $0xffff, v6;
	_ =	sdelay $0x1  }
0x5b: {  	(xrf2) =	vadd.scan.msk.f32 $0xffff, v5;
	_ =	sdelay $0x1  }
0x5c: {  	v7 =	vld [tilespmem:s29+$0x0]  }
0x5d: {  	v8 =	vld [tilespmem:s29+$0xFFFFFFFF];
	_ =	sdelay $0x3  }
0x5e: {  	v4 =	vperm.xlane v4, v2  }
0x5f: {  	vm15 =	vne.s32 v8, v7;
	v61, _, _ =	vpop (xrf2)  }
0x60: {  	v3 =	vperm.xlane v3, v2;
	v4 =	vadd.f32 v61, v4  }
0x61: {  	v62, _, _ =	vpop (xrf2)  }
0x62: {  	s28 =	sadd.s32 $0x2, s28;
	v3 =	vadd.f32 v62, v3;
	v6 =	vsub.f32 v4, v6  }
0x63: {  	p1 =	slt.u32 s28, $0x30  }
.Ltmp4:
0x64: {  	v5 =	vsub.f32 v3, v5;
	v63 =	vsub.f32 $0.0e+00, v6;
	(pc) =	sbr.rel @p1 .LBB2_8-.Ltmp4, $4  }
0x65: {  	[tilespmem:v8+s21+$0x0] =	vst.idx.add.f32.msk vm15, v6  }
0x66: {  	[tilespmem:v7+s21+$0x0] =	vst.idx.add.f32.msk vm15, v63;
	v6 =	vsub.f32 $0.0e+00, v5  }
0x67: {  	[tilespmem:v8+s22+$0x0] =	vst.idx.add.f32.msk vm15, v5  }
0x68: {  	s29 =	sadd.s32 $0x20, s29;
	s30 =	sadd.s32 $0x20, s30;
	v4 =	vperm.xlane v4, v2;
	v3 =	vperm.xlane v3, v2;
	[tilespmem:v7+s22+$0x0] =	vst.idx.add.f32.msk vm15, v6  }
.Ltmp5:
0x69: {  	(pc) =	sbr.rel .LBB2_10-.Ltmp5, $2  }
0x6a: {  	_ =	sdelay $0x2  }
0x6b: {  	s28 =	simm.s32 $0xFA0  }
.LBB2_4:
0x6c: {  	[tilespmem:s3], [sflag:$0x2] =	stream.linear.gather [hbm4b:s6+s3], $0xC80, $0x38;
	[tilespmem:$0x2300] =	vst v63  }
0x6d: {  	_ =	swait.ge [sflag:s16], $0xC80  }
0x6e: {  	[sflag:s16] =	ssyncset.done $0x0  }
0x6f: {  	[sflag:s16] =	ssyncadd.s32 $0xFFFFF380  }
0x70: {  	[tilespmem:s20], [sflag:$0x2] =	stream.linear.gather [hbm4b:s7+s3], $0xC80, $0x38;
	[tilespmem:$0x2300] =	vst v63  }
0x71: {  	_ =	swait.ge [sflag:s16], $0xC80  }
0x72: {  	[sflag:s16] =	ssyncset.done $0x0  }
0x73: {  	[sflag:s16] =	ssyncadd.s32 $0xFFFFF380  }
0x74: {  	v3 =	vimm.f32 $0.0e+00;
	s28 =	simm.s32 $0xFFFFFFFE;
	s29 =	simm.s32 $0xCA0;
	s30 =	simm.s32 $0x10;
	v4 =	vimm.f32 $0.0e+00;
	[tilespmem:$0xC80] =	vst v1  }
.LBB2_5:
0x75: {  	v5 =	vld [tilespmem:s30+$0xFFFFFFF0];
	_ =	sdelay $0x4  }
0x76: {  	v6 =	vmul.f32 $1.442695020e+00, v5;
	_ =	sdelay $0x1  }
0x77: {  	(erf) = vpow2.f32 v6;
	_ =	sdelay $0x8  }
0x78: {  	v6 =	vpop (erf)  }
0x79: {  	v5 =	vmul.f32 v6, v5;
	(xrf2) =	vadd.scan.msk.f32 $0xffff, v6;
	_ =	sdelay $0x1  }
0x7a: {  	(xrf2) =	vadd.scan.msk.f32 $0xffff, v5;
	_ =	sdelay $0x1  }
0x7b: {  	v7 =	vld [tilespmem:s29+$0xFFFFFFF0]  }
0x7c: {  	v8 =	vld [tilespmem:s29+$0xFFFFFFEF];
	_ =	sdelay $0x4  }
0x7d: {  	vm0 =	vne.s32 v8, v7;
	v9, _, _ =	vpop (xrf2)  }
0x7e: {  	v4 =	vadd.f32 v9, v4  }
0x7f: {  	v59, _, _ =	vpop (xrf2)  }
0x80: {  	v3 =	vadd.f32 v59, v3;
	v6 =	vsub.f32 v4, v6;
	_ =	sdelay $0x1  }
0x81: {  	v5 =	vsub.f32 v3, v5;
	v60 =	vsub.f32 $0.0e+00, v6  }
0x82: {  	[tilespmem:v8+s21+$0x0] =	vst.idx.add.f32.msk vm0, v6  }
0x83: {  	[tilespmem:v7+s21+$0x0] =	vst.idx.add.f32.msk vm0, v60;
	v6 =	vsub.f32 $0.0e+00, v5  }
0x84: {  	[tilespmem:v8+s22+$0x0] =	vst.idx.add.f32.msk vm0, v5  }
0x85: {  	[tilespmem:v7+s22+$0x0] =	vst.idx.add.f32.msk vm0, v6  }
0x86: {  	v5 =	vld [tilespmem:s30+$0x0];
	_ =	sdelay $0x4  }
0x87: {  	v6 =	vmul.f32 $1.442695020e+00, v5;
	_ =	sdelay $0x1  }
0x88: {  	(erf) = vpow2.f32 v6;
	_ =	sdelay $0x8  }
0x89: {  	v6 =	vpop (erf)  }
0x8a: {  	v5 =	vmul.f32 v6, v5;
	(xrf2) =	vadd.scan.msk.f32 $0xffff, v6;
	_ =	sdelay $0x1  }
0x8b: {  	(xrf2) =	vadd.scan.msk.f32 $0xffff, v5;
	_ =	sdelay $0x1  }
0x8c: {  	v7 =	vld [tilespmem:s29+$0x0]  }
0x8d: {  	v8 =	vld [tilespmem:s29+$0xFFFFFFFF];
	_ =	sdelay $0x3  }
0x8e: {  	v4 =	vperm.xlane v4, v2  }
0x8f: {  	vm15 =	vne.s32 v8, v7;
	v61, _, _ =	vpop (xrf2)  }
0x90: {  	v3 =	vperm.xlane v3, v2;
	v4 =	vadd.f32 v61, v4  }
0x91: {  	v62, _, _ =	vpop (xrf2)  }
0x92: {  	s28 =	sadd.s32 $0x2, s28;
	v3 =	vadd.f32 v62, v3;
	v6 =	vsub.f32 v4, v6  }
0x93: {  	p1 =	slt.u32 s28, $0xC6  }
.Ltmp6:
0x94: {  	v5 =	vsub.f32 v3, v5;
	v63 =	vsub.f32 $0.0e+00, v6;
	(pc) =	sbr.rel @p1 .LBB2_5-.Ltmp6, $4  }
0x95: {  	[tilespmem:v8+s21+$0x0] =	vst.idx.add.f32.msk vm15, v6  }
0x96: {  	[tilespmem:v7+s21+$0x0] =	vst.idx.add.f32.msk vm15, v63;
	v6 =	vsub.f32 $0.0e+00, v5  }
0x97: {  	[tilespmem:v8+s22+$0x0] =	vst.idx.add.f32.msk vm15, v5  }
0x98: {  	s29 =	sadd.s32 $0x20, s29;
	s30 =	sadd.s32 $0x20, s30;
	v4 =	vperm.xlane v4, v2;
	v3 =	vperm.xlane v3, v2;
	[tilespmem:v7+s22+$0x0] =	vst.idx.add.f32.msk vm15, v6  }
.Ltmp7:
0x99: {  	(pc) =	sbr.rel .LBB2_10-.Ltmp7, $2  }
0x9a: {  	_ =	sdelay $0x2  }
0x9b: {  	s28 =	simm.s32 $0x1900  }
.LBB2_11:
0x9c: {  	_ =	sfence.sel $0x180000  }
0x9d: {  	[bflag:$0x0] =	sbarrier.arrive $0xFFFF  }
0x9e: {  	p0 =	sne.s32 s0, $0x0;
	_ =	strace $0x90000047  }
0x9f: {  	s0 =	sadd.s32 @!p0 $0x100000, s2;
	[bflag:$0x2] =	sbarrier.arrive $0xFFFF  }
0xa0: {  	[sflag:s0] =	ssyncadd.tile.s32 @!p0 $0x1;
	_ =	shalt  }
.Lfunc_end2:
_tile_overlayer_lowered:
.L_overlay_start_2:
0xa1: {  	(tag) =	ssettag $0x2  }
0xa2: {  	s0 =	rddreg [dreg:$0x0];
	s2 =	stileid.u32  }
0xa3: {  	s1 =	rddreg [dreg:$0x1];
	p0 =	sne.s32 s2, $0x0  }
0xa4: {  	s3 =	rddreg [dreg:$0x2];
	[bflag:$0x3] =	sbarrier.arrive $0xFFFF;
	s2 =	simm.s32 @!p0 $0x1C02  }
0xa5: {  	[timem:s3], [sflag:s2] =	dma.local @!p0 [hbm:s0], s1  }
0xa6: {  	s0 =	simm.s32 @!p0 $0x2  }
0xa7: {  	_ =	swait.ge @!p0 [sflag:s0], s1  }
0xa8: {  	s1 =	ssub.s32 @!p0 $0x0, s1;
	[sflag:s0] =	ssyncset.done @!p0 $0x0  }
0xa9: {  	[sflag:s0] =	ssyncadd.s32 @!p0 s1  }
0xaa: {  	[bflag:$0x3] =	sbarrier.arrive $0xFFFF  }
0xab: {  	_ =	shalt  }

</sc_bundles>
